<compile_context>
chip_gen: v7x
topology: tpu7x:2x2x1
jax: 0.10.2.dev20260603
libtpu: 0.0.44.dev20260713+nightly
codegen_flags: <defaults>
</compile_context>

<pallas_src>
import functools
import itertools

import jax
import jax.numpy as jnp
import numpy as np
from jax import lax
from jax.experimental import pallas as pl
from jax.experimental.pallas import tpu as pltpu
from jax.experimental.pallas import tpu_sc as plsc

_B = 4096
_F = 26
_D0 = 16
_EMB = 32
_NB = 1000000
_PAIRS = np.array(list(itertools.combinations(range(_F), 2)), dtype=np.int32)
_K = _PAIRS.shape[0]

_IK = _PAIRS[:, 0]
_JK = _PAIRS[:, 1]
_CK = (_IK.astype(np.int32) * 1822 + _JK.astype(np.int32) * 6649)

_F2I = np.zeros((_F, _F - 1), dtype=np.int32)
_cnt = np.zeros(_F, dtype=np.int32)
for _k, (_i, _j) in enumerate(_PAIRS):
    _F2I[_i, _cnt[_i]] = _k; _cnt[_i] += 1
    _F2I[_j, _cnt[_j]] = _k; _cnt[_j] += 1

_S_T = np.zeros((_F, _K), dtype=np.float32)
_S_T[_IK, np.arange(_K)] = 1.0
_S_T[_JK, np.arange(_K)] = 1.0

_GFW = np.zeros((_K, _F * (_F - 1)), dtype=np.float32)
_GFW[_F2I.reshape(-1), np.arange(_F * (_F - 1))] = 1.0

_E4 = np.zeros((128, 128 * 32), dtype=np.float32)
for _b in range(128):
    _E4[_b, (_b // 4) * 128 + (_b % 4) * 32 : (_b // 4) * 128 + (_b % 4) * 32 + 32] = 1.0

_NC = 2
_NS = 16
_NW = _NC * _NS
_BPW = _B // _NW
assert _BPW * _NW == _B


def _sc_gather(x, ik, jk, ck, codebook):
    mesh = plsc.VectorSubcoreMesh(core_axis_name="c", subcore_axis_name="s")

    @functools.partial(
        pl.kernel,
        out_type=jax.ShapeDtypeStruct((_K * _B, _EMB), jnp.float32),
        mesh=mesh,
        scratch_types=[
            pltpu.VMEM((_BPW, _F), jnp.int32),
            pltpu.VMEM((_K,), jnp.int32),
            pltpu.VMEM((_K,), jnp.int32),
            pltpu.VMEM((_K,), jnp.int32),
            pltpu.VMEM((8, _BPW), jnp.int32),
            pltpu.VMEM((8, _BPW, _EMB), jnp.float32),
            pltpu.SemaphoreType.DMA,
            pltpu.SemaphoreType.DMA,
        ],
        compiler_params=pltpu.CompilerParams(
            use_tc_tiling_on_sc=False, needs_layout_passes=False
        ),
    )
    def gather_kernel(x_hbm, ik_hbm, jk_hbm, ck_hbm, table_hbm, out_hbm,
                      x_v, ik_v, jk_v, ck_v, idx_v, rows_v, gsem, wsem):
        wid = lax.axis_index("s") * _NC + lax.axis_index("c")
        bbase = pl.multiple_of(wid * _BPW, _BPW)
        pltpu.sync_copy(x_hbm.at[pl.ds(bbase, _BPW), :], x_v)
        pltpu.sync_copy(ik_hbm, ik_v)
        pltpu.sync_copy(jk_hbm, jk_v)
        pltpu.sync_copy(ck_hbm, ck_v)

        lanes = jnp.arange(16, dtype=jnp.int32)

        def hash_chunk(c, slot):
            cvec = jnp.broadcast_to(c, (16,)).astype(jnp.int32)
            ikvec = plsc.load_gather(ik_v, [cvec])
            jkvec = plsc.load_gather(jk_v, [cvec])
            ckvec = plsc.load_gather(ck_v, [cvec])
            for li in range(_BPW // 16):
                bvec = lanes + (li * 16)
                xi = plsc.load_gather(x_v, [bvec, ikvec])
                xj = plsc.load_gather(x_v, [bvec, jkvec])
                h = xi * 40503 + xj * 7744 + ckvec
                r = lax.rem(h, _NB)
                r = jnp.where(r < 0, r + _NB, r)
                idx_v[slot, pl.ds(li * 16, 16)] = r

        def start(slot):
            pltpu.async_copy(
                table_hbm.at[idx_v.at[slot]], rows_v.at[slot], gsem
            )

        def out_at(c):
            orow = pl.multiple_of(c * _B + wid * _BPW, _BPW)
            return out_hbm.at[pl.ds(orow, _BPW), :]

        def body(c, carry):
            slot = lax.rem(c, 8)
            pslot = lax.rem(c + 5, 8)

            @pl.when(c < _K)
            def _launch():
                hash_chunk(c, slot)

                @pl.when(c >= 8)
                def _drain_write():
                    pltpu.make_async_copy(
                        rows_v.at[slot], out_at(c - 8), wsem
                    ).wait()

                start(slot)

            @pl.when(c >= 3)
            def _emit():
                pltpu.make_async_copy(
                    table_hbm.at[idx_v.at[pslot]], rows_v.at[pslot], gsem
                ).wait()
                pltpu.async_copy(rows_v.at[pslot], out_at(c - 3), wsem)

            return carry

        lax.fori_loop(0, _K + 3, body, 0)

        for t in range(1, 9):
            pltpu.make_async_copy(
                rows_v.at[(_K - t) % 8], out_at(_K - t), wsem
            ).wait()

    return gather_kernel(x, ik, jk, ck, codebook)


_SENET_BT = 256


def _senet_body(z_ref, w1_ref, w2_ref, gfw_ref, wt_ref, fw_ref):
    z = z_ref[...]
    t1 = jnp.dot(z, w1_ref[...], preferred_element_type=jnp.float32)
    w = jnp.dot(t1, w2_ref[...], preferred_element_type=jnp.float32)
    wt = lax.dot_general(
        w2_ref[...], t1, (((0,), (1,)), ((), ())),
        preferred_element_type=jnp.float32,
    )
    wt_ref[...] = wt
    fw_ref[...] = jnp.dot(w, gfw_ref[...], preferred_element_type=jnp.float32)


def _senet(z, w1, w2, gfw):
    nt = _B // _SENET_BT
    return pl.pallas_call(
        _senet_body,
        grid=(nt,),
        in_specs=[
            pl.BlockSpec((_SENET_BT, _F * _D0), lambda i: (i, 0)),
            pl.BlockSpec((_F * _D0, _F * _D0), lambda i: (0, 0)),
            pl.BlockSpec((_F * _D0, _K), lambda i: (0, 0)),
            pl.BlockSpec((_K, _F * (_F - 1)), lambda i: (0, 0)),
        ],
        out_specs=[
            pl.BlockSpec((_K, _SENET_BT), lambda i: (0, i)),
            pl.BlockSpec((_SENET_BT, _F * (_F - 1)), lambda i: (i, 0)),
        ],
        out_shape=[
            jax.ShapeDtypeStruct((_K, _B), jnp.float32),
            jax.ShapeDtypeStruct((_B, _F * (_F - 1)), jnp.float32),
        ],
    )(z, w1, w2, gfw)


_MERGE_BT = 128


_KC = 65
_BT4 = _MERGE_BT // 4


def _merge_body(g_ref, wt_ref, st_ref, e4_ref, out_ref):
    acc = jnp.zeros((_F, _MERGE_BT * _EMB), jnp.float32)
    for c in range(_K // _KC):
        g = g_ref[pl.ds(c * _KC, _KC)]
        w = wt_ref[pl.ds(c * _KC, _KC)]
        w4 = jnp.dot(w, e4_ref[...], preferred_element_type=jnp.float32)
        wg = g.reshape(_KC, _MERGE_BT * _EMB) * w4
        st = st_ref[:, pl.ds(c * _KC, _KC)]
        acc = acc + jnp.dot(
            st.astype(jnp.bfloat16),
            wg.astype(jnp.bfloat16),
            preferred_element_type=jnp.float32,
        )
    out_ref[...] = acc.reshape(_F, _BT4, 4 * _EMB)


def _merge(g4, wt, st, e4):
    nt = _B // _MERGE_BT
    return pl.pallas_call(
        _merge_body,
        grid=(nt,),
        in_specs=[
            pl.BlockSpec((_K, _BT4, 4 * _EMB), lambda j: (0, j, 0)),
            pl.BlockSpec((_K, _MERGE_BT), lambda j: (0, j)),
            pl.BlockSpec((_F, _K), lambda j: (0, 0)),
            pl.BlockSpec((_MERGE_BT, _MERGE_BT * _EMB), lambda j: (0, 0)),
        ],
        out_specs=pl.BlockSpec((_F, _BT4, 4 * _EMB), lambda j: (0, j, 0)),
        out_shape=jax.ShapeDtypeStruct((_F, _B // 4, 4 * _EMB), jnp.float32),
    )(g4, wt, st, e4)


def kernel(placeholder_inputs, origin_embeddings, codebook, senet_w1, senet_w2):
    g = _sc_gather(
        placeholder_inputs,
        jnp.asarray(_IK),
        jnp.asarray(_JK),
        jnp.asarray(_CK),
        codebook,
    )
    g4 = g.reshape(_K, _B // 4, 4 * _EMB)
    z = origin_embeddings.reshape(_B, _F * _D0)
    wt, fw = _senet(z, senet_w1, senet_w2, jnp.asarray(_GFW))
    out_t = _merge(g4, wt, jnp.asarray(_S_T), jnp.asarray(_E4))
    outputs = jnp.swapaxes(out_t.reshape(_F, _B, _EMB), 0, 1)
    field_weights = fw.reshape(_B, _F, _F - 1, 1)
    return outputs, field_weights

# --- scband reference (transcript-rebuilt; emitter-appended) ---
"""Pipeline reference for scband-multi-hash-codebook-layer-54039278518743 (READ-ONLY COPY).

The authoritative reference and input builder live on the scoring server;
editing this copy changes nothing except your own understanding.
"""

import jax, jax.numpy as jnp
import numpy as np
import itertools

B = 4096
F = 26
D0 = 16
EMB = 32
NB = 1000000
FIELD_VOCAB = 1000000

PAIRS = np.array(list(itertools.combinations(range(F), 2)), dtype=np.int32)  # [325, 2]
NUM_INTERACT = PAIRS.shape[0]

# interact_indexes: for each field, the indices of the interactions it participates in -> [F, F-1]
_f2i = np.zeros((F, F - 1), dtype=np.int32)
_cnt = np.zeros(F, dtype=np.int32)
for _k, (_i, _j) in enumerate(PAIRS):
    _f2i[_i, _cnt[_i]] = _k; _cnt[_i] += 1
    _f2i[_j, _cnt[_j]] = _k; _cnt[_j] += 1
INTERACT_INDEXES = jnp.asarray(_f2i)
IDX_I = jnp.asarray(PAIRS[:, 0])
IDX_J = jnp.asarray(PAIRS[:, 1])


def setup_inputs(seed: int = 0) -> dict:
    key = jax.random.key(seed)
    k1, k2, k3, k4, k5 = jax.random.split(key, 5)
    placeholder_inputs = jax.random.randint(k1, (B, F), 0, FIELD_VOCAB, dtype=jnp.int32)
    origin_embeddings = jax.random.normal(k2, (B, F, D0), dtype=jnp.float32)
    codebook = jax.random.normal(k3, (NB, EMB), dtype=jnp.float32) * 0.01
    senet_w1 = jax.random.normal(k4, (F * D0, F * D0), dtype=jnp.float32) * 0.05
    senet_w2 = jax.random.normal(k5, (F * D0, NUM_INTERACT), dtype=jnp.float32) * 0.05
    return {
        'placeholder_inputs': placeholder_inputs,
        'origin_embeddings': origin_embeddings,
        'codebook': codebook,
        'senet_w1': senet_w1,
        'senet_w2': senet_w2,
    }


def _hash_pairs(placeholder_inputs):
    # Emulates TF string-join + StrongHash('field-i_val' x 'field-j_val') with an integer mixing hash.
    xi = placeholder_inputs[:, IDX_I]  # [B, 325]
    xj = placeholder_inputs[:, IDX_J]
    h = xi * 40503 + xj * 7744 + IDX_I[None, :] * 1822 + IDX_J[None, :] * 6649
    h = jnp.mod(h, NB)  # nonnegative bucket ids in [0, NB)
    return h


def reference(placeholder_inputs, origin_embeddings, codebook, senet_w1, senet_w2):
    bucket_ids = _hash_pairs(placeholder_inputs)                 # [B, 325] int
    embeddings = jnp.take(codebook, bucket_ids, axis=0)          # [B, 325, EMB] gather (hash-share, num_hash=1, concat)
    # SENET 'bit' squeeze + 'vector' excitation, activation='none', output_weights=True
    z = origin_embeddings.reshape(origin_embeddings.shape[0], F * D0)   # [B, F*D0]
    weights = jnp.matmul(jnp.matmul(z, senet_w1), senet_w2)      # [B, 325]
    weights = weights[:, :, None]                                # [B, 325, 1]
    # senetsum: gather per-field interaction embeddings/weights and weighted-sum over interactions
    field_embeddings = jnp.take(embeddings, INTERACT_INDEXES, axis=1)   # [B, F, F-1, EMB]
    field_weights = jnp.take(weights, INTERACT_INDEXES, axis=1)        # [B, F, F-1, 1]
    weighted = field_embeddings * field_weights
    outputs = jnp.sum(weighted, axis=-2)                         # [B, F, EMB]
    return (outputs, field_weights)

if __name__ == "__main__":
    import jax
    _d = setup_inputs()
    print(jax.jit(kernel)(*tuple(_d.values())))

</pallas_src>

<mosaic_0001>
#map = affine_map<(d0, d1) -> (0, 0)>
#map1 = affine_map<(d0, d1) -> (0)>
module attributes {stable_mosaic.version = 14 : i64} {
  func.func @gather_kernel(%arg0: i32, %arg1: i32, %arg2: memref<4096x26xi32, #tpu.memory_space<hbm>>, %arg3: memref<325xi32, #tpu.memory_space<hbm>>, %arg4: memref<325xi32, #tpu.memory_space<hbm>>, %arg5: memref<325xi32, #tpu.memory_space<hbm>>, %arg6: memref<1000000x32xf32, #tpu.memory_space<hbm>>, %arg7: memref<1331200x32xf32, #tpu.memory_space<hbm>>, %arg8: memref<128x26xi32, #tpu.memory_space<vmem>>, %arg9: memref<325xi32, #tpu.memory_space<vmem>>, %arg10: memref<325xi32, #tpu.memory_space<vmem>>, %arg11: memref<325xi32, #tpu.memory_space<vmem>>, %arg12: memref<8x128xi32, #tpu.memory_space<vmem>>, %arg13: memref<8x128x32xf32, #tpu.memory_space<vmem>>, %arg14: memref<!tpu.dma_semaphore, #tpu.memory_space<semaphore_mem>>, %arg15: memref<!tpu.dma_semaphore, #tpu.memory_space<semaphore_mem>>) attributes {dimension_semantics = [#tpu.dimension_semantics<core_parallel>, #tpu.dimension_semantics<subcore_parallel>], iteration_bounds = array<i64: 2, 16>, scalar_prefetch = 0 : i64, scratch_operands = 8 : i64, tpu.core_type = #tpu.core_type<sc_vector_subcore>, window_params = [{transform_indices = #map}, {transform_indices = #map1}, {transform_indices = #map1}, {transform_indices = #map1}, {transform_indices = #map}, {transform_indices = #map}]} {
    %mul3A = arith.constant 2 : i32
    %mul3A_0 = arith.muli %arg1, %mul3A : i32
    %add3A = arith.addi %mul3A_0, %arg0 : i32
    %mul3A_1 = arith.constant 128 : i32
    %mul3A_2 = arith.muli %add3A, %mul3A_1 : i32
    %multiple_of3A = tpu.assume_multiple %mul3A_2, 128 : i32
    "tpu.region"() ({
      %run_scoped3A = tpu.sem_alloc : memref<!tpu.dma_semaphore, #tpu.memory_space<semaphore_mem>>
      %dma_start3A = arith.constant 0 : i32
      %dma_start3A_151 = tpu.memref_slice %arg2[%multiple_of3A, %dma_start3A] : memref<4096x26xi32, #tpu.memory_space<hbm>> -> memref<128x26xi32, #tpu.memory_space<hbm>>
      %dma_start3A_152 = arith.constant 0 : i32
      %dma_start3A_153 = tpu.memref_slice %arg2[%multiple_of3A, %dma_start3A_152] : memref<4096x26xi32, #tpu.memory_space<hbm>> -> memref<128x26xi32, #tpu.memory_space<hbm>>
      tpu.enqueue_dma source(%dma_start3A_153 : memref<128x26xi32, #tpu.memory_space<hbm>>) target(%arg8 : memref<128x26xi32, #tpu.memory_space<vmem>>) target_semaphore(%run_scoped3A : memref<!tpu.dma_semaphore, #tpu.memory_space<semaphore_mem>>)
      %dma_wait3A_154 = arith.constant 0 : i32
      %dma_wait3A_155 = tpu.memref_slice %arg2[%multiple_of3A, %dma_wait3A_154] : memref<4096x26xi32, #tpu.memory_space<hbm>> -> memref<128x26xi32, #tpu.memory_space<hbm>>
      %dma_wait3A_156 = arith.constant 0 : i32
      %dma_wait3A_157 = tpu.memref_slice %arg2[%multiple_of3A, %dma_wait3A_156] : memref<4096x26xi32, #tpu.memory_space<hbm>> -> memref<128x26xi32, #tpu.memory_space<hbm>>
      tpu.wait_dma2 semaphore(%run_scoped3A : memref<!tpu.dma_semaphore, #tpu.memory_space<semaphore_mem>>) src(%dma_wait3A_157 : memref<128x26xi32, #tpu.memory_space<hbm>>) dst(%arg8 : memref<128x26xi32, #tpu.memory_space<vmem>>)
      tpu.yield
    }) : () -> ()
    "tpu.region"() ({
      %run_scoped3A = tpu.sem_alloc : memref<!tpu.dma_semaphore, #tpu.memory_space<semaphore_mem>>
      tpu.enqueue_dma source(%arg3 : memref<325xi32, #tpu.memory_space<hbm>>) target(%arg9 : memref<325xi32, #tpu.memory_space<vmem>>) target_semaphore(%run_scoped3A : memref<!tpu.dma_semaphore, #tpu.memory_space<semaphore_mem>>)
      tpu.wait_dma2 semaphore(%run_scoped3A : memref<!tpu.dma_semaphore, #tpu.memory_space<semaphore_mem>>) src(%arg3 : memref<325xi32, #tpu.memory_space<hbm>>) dst(%arg9 : memref<325xi32, #tpu.memory_space<vmem>>)
      tpu.yield
    }) : () -> ()
    "tpu.region"() ({
      %run_scoped3A = tpu.sem_alloc : memref<!tpu.dma_semaphore, #tpu.memory_space<semaphore_mem>>
      tpu.enqueue_dma source(%arg4 : memref<325xi32, #tpu.memory_space<hbm>>) target(%arg10 : memref<325xi32, #tpu.memory_space<vmem>>) target_semaphore(%run_scoped3A : memref<!tpu.dma_semaphore, #tpu.memory_space<semaphore_mem>>)
      tpu.wait_dma2 semaphore(%run_scoped3A : memref<!tpu.dma_semaphore, #tpu.memory_space<semaphore_mem>>) src(%arg4 : memref<325xi32, #tpu.memory_space<hbm>>) dst(%arg10 : memref<325xi32, #tpu.memory_space<vmem>>)
      tpu.yield
    }) : () -> ()
    "tpu.region"() ({
      %run_scoped3A = tpu.sem_alloc : memref<!tpu.dma_semaphore, #tpu.memory_space<semaphore_mem>>
      tpu.enqueue_dma source(%arg5 : memref<325xi32, #tpu.memory_space<hbm>>) target(%arg11 : memref<325xi32, #tpu.memory_space<vmem>>) target_semaphore(%run_scoped3A : memref<!tpu.dma_semaphore, #tpu.memory_space<semaphore_mem>>)
      tpu.wait_dma2 semaphore(%run_scoped3A : memref<!tpu.dma_semaphore, #tpu.memory_space<semaphore_mem>>) src(%arg5 : memref<325xi32, #tpu.memory_space<hbm>>) dst(%arg11 : memref<325xi32, #tpu.memory_space<vmem>>)
      tpu.yield
    }) : () -> ()
    %iota3A = tpu.iota {dimensions = array<i32: 0>} : vector<16xi32>
    %scan3A = arith.constant 0 : i32
    %scan3A_3 = arith.constant 0 : i32
    %scan3A_4 = arith.constant 328 : i32
    %scan3A_5 = arith.addi %scan3A_3, %scan3A_4 : i32
    %scan3A_6 = arith.constant 1 : i32
    scf.for %scan3A_151 = %scan3A_3 to %scan3A_5 step %scan3A_6  : i32 {
      %rem3A = arith.constant 8 : i32
      %rem3A_152 = arith.remsi %scan3A_151, %rem3A : i32
      %add3A_153 = arith.constant 5 : i32
      %add3A_154 = arith.addi %scan3A_151, %add3A_153 : i32
      %rem3A_155 = arith.constant 8 : i32
      %rem3A_156 = arith.remsi %add3A_154, %rem3A_155 : i32
      %lt3A = arith.constant 325 : i32
      %lt3A_157 = arith.cmpi slt, %scan3A_151, %lt3A : i32
      %convert_element_type3A = arith.extui %lt3A_157 : i1 to i32
      %cond3A = arith.constant 0 : i32
      %cond3A_158 = arith.cmpi ne, %convert_element_type3A, %cond3A : i32
      scf.if %cond3A_158 {
        %broadcast_in_dim3A = vector.broadcast %scan3A_151 : i32 to vector<16xi32>
        %gather3A = tpu.vector_load_idx %arg9[%broadcast_in_dim3A] : memref<325xi32, #tpu.memory_space<vmem>>[vector<16xi32>], vector<16xi32>,
        %gather3A_163 = tpu.vector_load_idx %arg10[%broadcast_in_dim3A] : memref<325xi32, #tpu.memory_space<vmem>>[vector<16xi32>], vector<16xi32>,
        %gather3A_164 = tpu.vector_load_idx %arg11[%broadcast_in_dim3A] : memref<325xi32, #tpu.memory_space<vmem>>[vector<16xi32>], vector<16xi32>,
        %add3A_165 = arith.constant 0 : i32
        %add3A_166 = vector.broadcast %add3A_165 : i32 to vector<16xi32>
        %add3A_167 = arith.addi %iota3A, %add3A_166 : vector<16xi32>
        %gather3A_168 = tpu.vector_load_idx %arg8[%add3A_167, %gather3A] : memref<128x26xi32, #tpu.memory_space<vmem>>[vector<16xi32>, vector<16xi32>], vector<16xi32>,
        %gather3A_169 = tpu.vector_load_idx %arg8[%add3A_167, %gather3A_163] : memref<128x26xi32, #tpu.memory_space<vmem>>[vector<16xi32>, vector<16xi32>], vector<16xi32>,
        %mul3A_170 = arith.constant 40503 : i32
        %mul3A_171 = vector.broadcast %mul3A_170 : i32 to vector<16xi32>
        %mul3A_172 = arith.muli %gather3A_168, %mul3A_171 : vector<16xi32>
        %mul3A_173 = arith.constant 7744 : i32
        %mul3A_174 = vector.broadcast %mul3A_173 : i32 to vector<16xi32>
        %mul3A_175 = arith.muli %gather3A_169, %mul3A_174 : vector<16xi32>
        %add3A_176 = arith.addi %mul3A_172, %mul3A_175 : vector<16xi32>
        %add3A_177 = arith.addi %add3A_176, %gather3A_164 : vector<16xi32>
        %rem3A_178 = arith.constant 1000000 : i32
        %rem3A_179 = vector.broadcast %rem3A_178 : i32 to vector<16xi32>
        %rem3A_180 = arith.remsi %add3A_177, %rem3A_179 : vector<16xi32>
        %lt3A_181 = arith.constant 0 : i32
        %lt3A_182 = vector.broadcast %lt3A_181 : i32 to vector<16xi32>
        %lt3A_183 = arith.cmpi slt, %rem3A_180, %lt3A_182 : vector<16xi32>
        %add3A_184 = arith.constant 1000000 : i32
        %add3A_185 = vector.broadcast %add3A_184 : i32 to vector<16xi32>
        %add3A_186 = arith.addi %rem3A_180, %add3A_185 : vector<16xi32>
        %select_n3A = arith.select %lt3A_183, %add3A_186, %rem3A_180 : vector<16xi1>, vector<16xi32>
        %swap3A = arith.index_cast %rem3A_152 : i32 to index
        %swap3A_187 = arith.constant 0 : index
        %swap3A_188 = tpu.vector_load %arg12[%swap3A, %swap3A_187] {strides = array<i32>} : memref<8x128xi32, #tpu.memory_space<vmem>>, vector<16xi32>,
        tpu.vector_store %arg12[%swap3A, %swap3A_187], %select_n3A {strides = array<i32>} : memref<8x128xi32, #tpu.memory_space<vmem>>, vector<16xi32>,
        %add3A_189 = arith.constant 16 : i32
        %add3A_190 = vector.broadcast %add3A_189 : i32 to vector<16xi32>
        %add3A_191 = arith.addi %iota3A, %add3A_190 : vector<16xi32>
        %gather3A_192 = tpu.vector_load_idx %arg8[%add3A_191, %gather3A] : memref<128x26xi32, #tpu.memory_space<vmem>>[vector<16xi32>, vector<16xi32>], vector<16xi32>,
        %gather3A_193 = tpu.vector_load_idx %arg8[%add3A_191, %gather3A_163] : memref<128x26xi32, #tpu.memory_space<vmem>>[vector<16xi32>, vector<16xi32>], vector<16xi32>,
        %mul3A_194 = arith.constant 40503 : i32
        %mul3A_195 = vector.broadcast %mul3A_194 : i32 to vector<16xi32>
        %mul3A_196 = arith.muli %gather3A_192, %mul3A_195 : vector<16xi32>
        %mul3A_197 = arith.constant 7744 : i32
        %mul3A_198 = vector.broadcast %mul3A_197 : i32 to vector<16xi32>
        %mul3A_199 = arith.muli %gather3A_193, %mul3A_198 : vector<16xi32>
        %add3A_200 = arith.addi %mul3A_196, %mul3A_199 : vector<16xi32>
        %add3A_201 = arith.addi %add3A_200, %gather3A_164 : vector<16xi32>
        %rem3A_202 = arith.constant 1000000 : i32
        %rem3A_203 = vector.broadcast %rem3A_202 : i32 to vector<16xi32>
        %rem3A_204 = arith.remsi %add3A_201, %rem3A_203 : vector<16xi32>
        %lt3A_205 = arith.constant 0 : i32
        %lt3A_206 = vector.broadcast %lt3A_205 : i32 to vector<16xi32>
        %lt3A_207 = arith.cmpi slt, %rem3A_204, %lt3A_206 : vector<16xi32>
        %add3A_208 = arith.constant 1000000 : i32
        %add3A_209 = vector.broadcast %add3A_208 : i32 to vector<16xi32>
        %add3A_210 = arith.addi %rem3A_204, %add3A_209 : vector<16xi32>
        %select_n3A_211 = arith.select %lt3A_207, %add3A_210, %rem3A_204 : vector<16xi1>, vector<16xi32>
        %swap3A_212 = arith.index_cast %rem3A_152 : i32 to index
        %swap3A_213 = arith.constant 16 : index
        %swap3A_214 = tpu.vector_load %arg12[%swap3A_212, %swap3A_213] {strides = array<i32>} : memref<8x128xi32, #tpu.memory_space<vmem>>, vector<16xi32>,
        tpu.vector_store %arg12[%swap3A_212, %swap3A_213], %select_n3A_211 {strides = array<i32>} : memref<8x128xi32, #tpu.memory_space<vmem>>, vector<16xi32>,
        %add3A_215 = arith.constant 32 : i32
        %add3A_216 = vector.broadcast %add3A_215 : i32 to vector<16xi32>
        %add3A_217 = arith.addi %iota3A, %add3A_216 : vector<16xi32>
        %gather3A_218 = tpu.vector_load_idx %arg8[%add3A_217, %gather3A] : memref<128x26xi32, #tpu.memory_space<vmem>>[vector<16xi32>, vector<16xi32>], vector<16xi32>,
        %gather3A_219 = tpu.vector_load_idx %arg8[%add3A_217, %gather3A_163] : memref<128x26xi32, #tpu.memory_space<vmem>>[vector<16xi32>, vector<16xi32>], vector<16xi32>,
        %mul3A_220 = arith.constant 40503 : i32
        %mul3A_221 = vector.broadcast %mul3A_220 : i32 to vector<16xi32>
        %mul3A_222 = arith.muli %gather3A_218, %mul3A_221 : vector<16xi32>
        %mul3A_223 = arith.constant 7744 : i32
        %mul3A_224 = vector.broadcast %mul3A_223 : i32 to vector<16xi32>
        %mul3A_225 = arith.muli %gather3A_219, %mul3A_224 : vector<16xi32>
        %add3A_226 = arith.addi %mul3A_222, %mul3A_225 : vector<16xi32>
        %add3A_227 = arith.addi %add3A_226, %gather3A_164 : vector<16xi32>
        %rem3A_228 = arith.constant 1000000 : i32
        %rem3A_229 = vector.broadcast %rem3A_228 : i32 to vector<16xi32>
        %rem3A_230 = arith.remsi %add3A_227, %rem3A_229 : vector<16xi32>
        %lt3A_231 = arith.constant 0 : i32
        %lt3A_232 = vector.broadcast %lt3A_231 : i32 to vector<16xi32>
        %lt3A_233 = arith.cmpi slt, %rem3A_230, %lt3A_232 : vector<16xi32>
        %add3A_234 = arith.constant 1000000 : i32
        %add3A_235 = vector.broadcast %add3A_234 : i32 to vector<16xi32>
        %add3A_236 = arith.addi %rem3A_230, %add3A_235 : vector<16xi32>
        %select_n3A_237 = arith.select %lt3A_233, %add3A_236, %rem3A_230 : vector<16xi1>, vector<16xi32>
        %swap3A_238 = arith.index_cast %rem3A_152 : i32 to index
        %swap3A_239 = arith.constant 32 : index
        %swap3A_240 = tpu.vector_load %arg12[%swap3A_238, %swap3A_239] {strides = array<i32>} : memref<8x128xi32, #tpu.memory_space<vmem>>, vector<16xi32>,
        tpu.vector_store %arg12[%swap3A_238, %swap3A_239], %select_n3A_237 {strides = array<i32>} : memref<8x128xi32, #tpu.memory_space<vmem>>, vector<16xi32>,
        %add3A_241 = arith.constant 48 : i32
        %add3A_242 = vector.broadcast %add3A_241 : i32 to vector<16xi32>
        %add3A_243 = arith.addi %iota3A, %add3A_242 : vector<16xi32>
        %gather3A_244 = tpu.vector_load_idx %arg8[%add3A_243, %gather3A] : memref<128x26xi32, #tpu.memory_space<vmem>>[vector<16xi32>, vector<16xi32>], vector<16xi32>,
        %gather3A_245 = tpu.vector_load_idx %arg8[%add3A_243, %gather3A_163] : memref<128x26xi32, #tpu.memory_space<vmem>>[vector<16xi32>, vector<16xi32>], vector<16xi32>,
        %mul3A_246 = arith.constant 40503 : i32
        %mul3A_247 = vector.broadcast %mul3A_246 : i32 to vector<16xi32>
        %mul3A_248 = arith.muli %gather3A_244, %mul3A_247 : vector<16xi32>
        %mul3A_249 = arith.constant 7744 : i32
        %mul3A_250 = vector.broadcast %mul3A_249 : i32 to vector<16xi32>
        %mul3A_251 = arith.muli %gather3A_245, %mul3A_250 : vector<16xi32>
        %add3A_252 = arith.addi %mul3A_248, %mul3A_251 : vector<16xi32>
        %add3A_253 = arith.addi %add3A_252, %gather3A_164 : vector<16xi32>
        %rem3A_254 = arith.constant 1000000 : i32
        %rem3A_255 = vector.broadcast %rem3A_254 : i32 to vector<16xi32>
        %rem3A_256 = arith.remsi %add3A_253, %rem3A_255 : vector<16xi32>
        %lt3A_257 = arith.constant 0 : i32
        %lt3A_258 = vector.broadcast %lt3A_257 : i32 to vector<16xi32>
        %lt3A_259 = arith.cmpi slt, %rem3A_256, %lt3A_258 : vector<16xi32>
        %add3A_260 = arith.constant 1000000 : i32
        %add3A_261 = vector.broadcast %add3A_260 : i32 to vector<16xi32>
        %add3A_262 = arith.addi %rem3A_256, %add3A_261 : vector<16xi32>
        %select_n3A_263 = arith.select %lt3A_259, %add3A_262, %rem3A_256 : vector<16xi1>, vector<16xi32>
        %swap3A_264 = arith.index_cast %rem3A_152 : i32 to index
        %swap3A_265 = arith.constant 48 : index
        %swap3A_266 = tpu.vector_load %arg12[%swap3A_264, %swap3A_265] {strides = array<i32>} : memref<8x128xi32, #tpu.memory_space<vmem>>, vector<16xi32>,
        tpu.vector_store %arg12[%swap3A_264, %swap3A_265], %select_n3A_263 {strides = array<i32>} : memref<8x128xi32, #tpu.memory_space<vmem>>, vector<16xi32>,
        %add3A_267 = arith.constant 64 : i32
        %add3A_268 = vector.broadcast %add3A_267 : i32 to vector<16xi32>
        %add3A_269 = arith.addi %iota3A, %add3A_268 : vector<16xi32>
        %gather3A_270 = tpu.vector_load_idx %arg8[%add3A_269, %gather3A] : memref<128x26xi32, #tpu.memory_space<vmem>>[vector<16xi32>, vector<16xi32>], vector<16xi32>,
        %gather3A_271 = tpu.vector_load_idx %arg8[%add3A_269, %gather3A_163] : memref<128x26xi32, #tpu.memory_space<vmem>>[vector<16xi32>, vector<16xi32>], vector<16xi32>,
        %mul3A_272 = arith.constant 40503 : i32
        %mul3A_273 = vector.broadcast %mul3A_272 : i32 to vector<16xi32>
        %mul3A_274 = arith.muli %gather3A_270, %mul3A_273 : vector<16xi32>
        %mul3A_275 = arith.constant 7744 : i32
        %mul3A_276 = vector.broadcast %mul3A_275 : i32 to vector<16xi32>
        %mul3A_277 = arith.muli %gather3A_271, %mul3A_276 : vector<16xi32>
        %add3A_278 = arith.addi %mul3A_274, %mul3A_277 : vector<16xi32>
        %add3A_279 = arith.addi %add3A_278, %gather3A_164 : vector<16xi32>
        %rem3A_280 = arith.constant 1000000 : i32
        %rem3A_281 = vector.broadcast %rem3A_280 : i32 to vector<16xi32>
        %rem3A_282 = arith.remsi %add3A_279, %rem3A_281 : vector<16xi32>
        %lt3A_283 = arith.constant 0 : i32
        %lt3A_284 = vector.broadcast %lt3A_283 : i32 to vector<16xi32>
        %lt3A_285 = arith.cmpi slt, %rem3A_282, %lt3A_284 : vector<16xi32>
        %add3A_286 = arith.constant 1000000 : i32
        %add3A_287 = vector.broadcast %add3A_286 : i32 to vector<16xi32>
        %add3A_288 = arith.addi %rem3A_282, %add3A_287 : vector<16xi32>
        %select_n3A_289 = arith.select %lt3A_285, %add3A_288, %rem3A_282 : vector<16xi1>, vector<16xi32>
        %swap3A_290 = arith.index_cast %rem3A_152 : i32 to index
        %swap3A_291 = arith.constant 64 : index
        %swap3A_292 = tpu.vector_load %arg12[%swap3A_290, %swap3A_291] {strides = array<i32>} : memref<8x128xi32, #tpu.memory_space<vmem>>, vector<16xi32>,
        tpu.vector_store %arg12[%swap3A_290, %swap3A_291], %select_n3A_289 {strides = array<i32>} : memref<8x128xi32, #tpu.memory_space<vmem>>, vector<16xi32>,
        %add3A_293 = arith.constant 80 : i32
        %add3A_294 = vector.broadcast %add3A_293 : i32 to vector<16xi32>
        %add3A_295 = arith.addi %iota3A, %add3A_294 : vector<16xi32>
        %gather3A_296 = tpu.vector_load_idx %arg8[%add3A_295, %gather3A] : memref<128x26xi32, #tpu.memory_space<vmem>>[vector<16xi32>, vector<16xi32>], vector<16xi32>,
        %gather3A_297 = tpu.vector_load_idx %arg8[%add3A_295, %gather3A_163] : memref<128x26xi32, #tpu.memory_space<vmem>>[vector<16xi32>, vector<16xi32>], vector<16xi32>,
        %mul3A_298 = arith.constant 40503 : i32
        %mul3A_299 = vector.broadcast %mul3A_298 : i32 to vector<16xi32>
        %mul3A_300 = arith.muli %gather3A_296, %mul3A_299 : vector<16xi32>
        %mul3A_301 = arith.constant 7744 : i32
        %mul3A_302 = vector.broadcast %mul3A_301 : i32 to vector<16xi32>
        %mul3A_303 = arith.muli %gather3A_297, %mul3A_302 : vector<16xi32>
        %add3A_304 = arith.addi %mul3A_300, %mul3A_303 : vector<16xi32>
        %add3A_305 = arith.addi %add3A_304, %gather3A_164 : vector<16xi32>
        %rem3A_306 = arith.constant 1000000 : i32
        %rem3A_307 = vector.broadcast %rem3A_306 : i32 to vector<16xi32>
        %rem3A_308 = arith.remsi %add3A_305, %rem3A_307 : vector<16xi32>
        %lt3A_309 = arith.constant 0 : i32
        %lt3A_310 = vector.broadcast %lt3A_309 : i32 to vector<16xi32>
        %lt3A_311 = arith.cmpi slt, %rem3A_308, %lt3A_310 : vector<16xi32>
        %add3A_312 = arith.constant 1000000 : i32
        %add3A_313 = vector.broadcast %add3A_312 : i32 to vector<16xi32>
        %add3A_314 = arith.addi %rem3A_308, %add3A_313 : vector<16xi32>
        %select_n3A_315 = arith.select %lt3A_311, %add3A_314, %rem3A_308 : vector<16xi1>, vector<16xi32>
        %swap3A_316 = arith.index_cast %rem3A_152 : i32 to index
        %swap3A_317 = arith.constant 80 : index
        %swap3A_318 = tpu.vector_load %arg12[%swap3A_316, %swap3A_317] {strides = array<i32>} : memref<8x128xi32, #tpu.memory_space<vmem>>, vector<16xi32>,
        tpu.vector_store %arg12[%swap3A_316, %swap3A_317], %select_n3A_315 {strides = array<i32>} : memref<8x128xi32, #tpu.memory_space<vmem>>, vector<16xi32>,
        %add3A_319 = arith.constant 96 : i32
        %add3A_320 = vector.broadcast %add3A_319 : i32 to vector<16xi32>
        %add3A_321 = arith.addi %iota3A, %add3A_320 : vector<16xi32>
        %gather3A_322 = tpu.vector_load_idx %arg8[%add3A_321, %gather3A] : memref<128x26xi32, #tpu.memory_space<vmem>>[vector<16xi32>, vector<16xi32>], vector<16xi32>,
        %gather3A_323 = tpu.vector_load_idx %arg8[%add3A_321, %gather3A_163] : memref<128x26xi32, #tpu.memory_space<vmem>>[vector<16xi32>, vector<16xi32>], vector<16xi32>,
        %mul3A_324 = arith.constant 40503 : i32
        %mul3A_325 = vector.broadcast %mul3A_324 : i32 to vector<16xi32>
        %mul3A_326 = arith.muli %gather3A_322, %mul3A_325 : vector<16xi32>
        %mul3A_327 = arith.constant 7744 : i32
        %mul3A_328 = vector.broadcast %mul3A_327 : i32 to vector<16xi32>
        %mul3A_329 = arith.muli %gather3A_323, %mul3A_328 : vector<16xi32>
        %add3A_330 = arith.addi %mul3A_326, %mul3A_329 : vector<16xi32>
        %add3A_331 = arith.addi %add3A_330, %gather3A_164 : vector<16xi32>
        %rem3A_332 = arith.constant 1000000 : i32
        %rem3A_333 = vector.broadcast %rem3A_332 : i32 to vector<16xi32>
        %rem3A_334 = arith.remsi %add3A_331, %rem3A_333 : vector<16xi32>
        %lt3A_335 = arith.constant 0 : i32
        %lt3A_336 = vector.broadcast %lt3A_335 : i32 to vector<16xi32>
        %lt3A_337 = arith.cmpi slt, %rem3A_334, %lt3A_336 : vector<16xi32>
        %add3A_338 = arith.constant 1000000 : i32
        %add3A_339 = vector.broadcast %add3A_338 : i32 to vector<16xi32>
        %add3A_340 = arith.addi %rem3A_334, %add3A_339 : vector<16xi32>
        %select_n3A_341 = arith.select %lt3A_337, %add3A_340, %rem3A_334 : vector<16xi1>, vector<16xi32>
        %swap3A_342 = arith.index_cast %rem3A_152 : i32 to index
        %swap3A_343 = arith.constant 96 : index
        %swap3A_344 = tpu.vector_load %arg12[%swap3A_342, %swap3A_343] {strides = array<i32>} : memref<8x128xi32, #tpu.memory_space<vmem>>, vector<16xi32>,
        tpu.vector_store %arg12[%swap3A_342, %swap3A_343], %select_n3A_341 {strides = array<i32>} : memref<8x128xi32, #tpu.memory_space<vmem>>, vector<16xi32>,
        %add3A_345 = arith.constant 112 : i32
        %add3A_346 = vector.broadcast %add3A_345 : i32 to vector<16xi32>
        %add3A_347 = arith.addi %iota3A, %add3A_346 : vector<16xi32>
        %gather3A_348 = tpu.vector_load_idx %arg8[%add3A_347, %gather3A] : memref<128x26xi32, #tpu.memory_space<vmem>>[vector<16xi32>, vector<16xi32>], vector<16xi32>,
        %gather3A_349 = tpu.vector_load_idx %arg8[%add3A_347, %gather3A_163] : memref<128x26xi32, #tpu.memory_space<vmem>>[vector<16xi32>, vector<16xi32>], vector<16xi32>,
        %mul3A_350 = arith.constant 40503 : i32
        %mul3A_351 = vector.broadcast %mul3A_350 : i32 to vector<16xi32>
        %mul3A_352 = arith.muli %gather3A_348, %mul3A_351 : vector<16xi32>
        %mul3A_353 = arith.constant 7744 : i32
        %mul3A_354 = vector.broadcast %mul3A_353 : i32 to vector<16xi32>
        %mul3A_355 = arith.muli %gather3A_349, %mul3A_354 : vector<16xi32>
        %add3A_356 = arith.addi %mul3A_352, %mul3A_355 : vector<16xi32>
        %add3A_357 = arith.addi %add3A_356, %gather3A_164 : vector<16xi32>
        %rem3A_358 = arith.constant 1000000 : i32
        %rem3A_359 = vector.broadcast %rem3A_358 : i32 to vector<16xi32>
        %rem3A_360 = arith.remsi %add3A_357, %rem3A_359 : vector<16xi32>
        %lt3A_361 = arith.constant 0 : i32
        %lt3A_362 = vector.broadcast %lt3A_361 : i32 to vector<16xi32>
        %lt3A_363 = arith.cmpi slt, %rem3A_360, %lt3A_362 : vector<16xi32>
        %add3A_364 = arith.constant 1000000 : i32
        %add3A_365 = vector.broadcast %add3A_364 : i32 to vector<16xi32>
        %add3A_366 = arith.addi %rem3A_360, %add3A_365 : vector<16xi32>
        %select_n3A_367 = arith.select %lt3A_363, %add3A_366, %rem3A_360 : vector<16xi1>, vector<16xi32>
        %swap3A_368 = arith.index_cast %rem3A_152 : i32 to index
        %swap3A_369 = arith.constant 112 : index
        %swap3A_370 = tpu.vector_load %arg12[%swap3A_368, %swap3A_369] {strides = array<i32>} : memref<8x128xi32, #tpu.memory_space<vmem>>, vector<16xi32>,
        tpu.vector_store %arg12[%swap3A_368, %swap3A_369], %select_n3A_367 {strides = array<i32>} : memref<8x128xi32, #tpu.memory_space<vmem>>, vector<16xi32>,
        %ge3A_371 = arith.constant 8 : i32
        %ge3A_372 = arith.cmpi sge, %scan3A_151, %ge3A_371 : i32
        %convert_element_type3A_373 = arith.extui %ge3A_372 : i1 to i32
        %cond3A_374 = arith.constant 0 : i32
        %cond3A_375 = arith.cmpi ne, %convert_element_type3A_373, %cond3A_374 : i32
        scf.if %cond3A_375 {
          %sub3A = arith.constant 8 : i32
          %sub3A_385 = arith.subi %scan3A_151, %sub3A : i32
          %mul3A_386 = arith.constant 4096 : i32
          %mul3A_387 = arith.muli %sub3A_385, %mul3A_386 : i32
          %mul3A_388 = arith.constant 128 : i32
          %mul3A_389 = arith.muli %add3A, %mul3A_388 : i32
          %add3A_390 = arith.addi %mul3A_387, %mul3A_389 : i32
          %multiple_of3A_391 = tpu.assume_multiple %add3A_390, 128 : i32
          %dma_wait3A_392 = arith.constant 0 : i32
          %dma_wait3A_393 = arith.constant 0 : i32
          %dma_wait3A_394 = tpu.memref_slice %arg13[%rem3A_152, %dma_wait3A_392, %dma_wait3A_393] : memref<8x128x32xf32, #tpu.memory_space<vmem>> -> memref<1x128x32xf32, #tpu.memory_space<vmem>>
          %dma_wait3A_395 = tpu.memref_squeeze %dma_wait3A_394 : memref<1x128x32xf32, #tpu.memory_space<vmem>> -> memref<128x32xf32, #tpu.memory_space<vmem>>
          %dma_wait3A_396 = arith.constant 0 : i32
          %dma_wait3A_397 = tpu.memref_slice %arg7[%multiple_of3A_391, %dma_wait3A_396] : memref<1331200x32xf32, #tpu.memory_space<hbm>> -> memref<128x32xf32, #tpu.memory_space<hbm>>
          %dma_wait3A_398 = arith.constant 0 : i32
          %dma_wait3A_399 = tpu.memref_slice %arg7[%multiple_of3A_391, %dma_wait3A_398] : memref<1331200x32xf32, #tpu.memory_space<hbm>> -> memref<128x32xf32, #tpu.memory_space<hbm>>
          %dma_wait3A_400 = arith.constant 0 : i32
          %dma_wait3A_401 = arith.constant 0 : i32
          %dma_wait3A_402 = tpu.memref_slice %arg13[%rem3A_152, %dma_wait3A_400, %dma_wait3A_401] : memref<8x128x32xf32, #tpu.memory_space<vmem>> -> memref<1x128x32xf32, #tpu.memory_space<vmem>>
          %dma_wait3A_403 = tpu.memref_squeeze %dma_wait3A_402 : memref<1x128x32xf32, #tpu.memory_space<vmem>> -> memref<128x32xf32, #tpu.memory_space<vmem>>
          tpu.wait_dma2 semaphore(%arg15 : memref<!tpu.dma_semaphore, #tpu.memory_space<semaphore_mem>>) src(%dma_wait3A_403 : memref<128x32xf32, #tpu.memory_space<vmem>>) dst(%dma_wait3A_399 : memref<128x32xf32, #tpu.memory_space<hbm>>)
        } else {
        }
        %dma_start3A = arith.constant 0 : i32
        %dma_start3A_376 = arith.constant 0 : i32
        %dma_start3A_377 = tpu.memref_slice %arg13[%rem3A_152, %dma_start3A, %dma_start3A_376] : memref<8x128x32xf32, #tpu.memory_space<vmem>> -> memref<1x128x32xf32, #tpu.memory_space<vmem>>
        %dma_start3A_378 = tpu.memref_squeeze %dma_start3A_377 : memref<1x128x32xf32, #tpu.memory_space<vmem>> -> memref<128x32xf32, #tpu.memory_space<vmem>>
        %dma_start3A_379 = arith.constant 0 : i32
        %dma_start3A_380 = tpu.memref_slice %arg12[%rem3A_152, %dma_start3A_379] : memref<8x128xi32, #tpu.memory_space<vmem>> -> memref<1x128xi32, #tpu.memory_space<vmem>>
        %dma_start3A_381 = tpu.memref_squeeze %dma_start3A_380 : memref<1x128xi32, #tpu.memory_space<vmem>> -> memref<128xi32, #tpu.memory_space<vmem>>
        %dma_start3A_382 = arith.constant 0 : i32
        %dma_start3A_383 = arith.constant 0 : i32
        %dma_start3A_384 = tpu.memref_slice %arg6[%dma_start3A_382, %dma_start3A_383] : memref<1000000x32xf32, #tpu.memory_space<hbm>> -> memref<1000000x32xf32, #tpu.memory_space<hbm>>
        tpu.enqueue_indirect_dma source(%dma_start3A_384 : memref<1000000x32xf32, #tpu.memory_space<hbm>>) target(%dma_start3A_378 : memref<128x32xf32, #tpu.memory_space<vmem>>) offsets(%dma_start3A_381 : memref<128xi32, #tpu.memory_space<vmem>>) semaphore(%arg14 : memref<!tpu.dma_semaphore, #tpu.memory_space<semaphore_mem>>)
      } else {
      }
      %ge3A = arith.constant 3 : i32
      %ge3A_159 = arith.cmpi sge, %scan3A_151, %ge3A : i32
      %convert_element_type3A_160 = arith.extui %ge3A_159 : i1 to i32
      %cond3A_161 = arith.constant 0 : i32
      %cond3A_162 = arith.cmpi ne, %convert_element_type3A_160, %cond3A_161 : i32
      scf.if %cond3A_162 {
        %dma_wait3A_163 = arith.constant 0 : i32
        %dma_wait3A_164 = arith.constant 0 : i32
        %dma_wait3A_165 = tpu.memref_slice %arg13[%rem3A_156, %dma_wait3A_163, %dma_wait3A_164] : memref<8x128x32xf32, #tpu.memory_space<vmem>> -> memref<1x128x32xf32, #tpu.memory_space<vmem>>
        %dma_wait3A_166 = tpu.memref_squeeze %dma_wait3A_165 : memref<1x128x32xf32, #tpu.memory_space<vmem>> -> memref<128x32xf32, #tpu.memory_space<vmem>>
        %dma_wait3A_167 = arith.constant 0 : i32
        %dma_wait3A_168 = tpu.memref_slice %arg12[%rem3A_156, %dma_wait3A_167] : memref<8x128xi32, #tpu.memory_space<vmem>> -> memref<1x128xi32, #tpu.memory_space<vmem>>
        %dma_wait3A_169 = tpu.memref_squeeze %dma_wait3A_168 : memref<1x128xi32, #tpu.memory_space<vmem>> -> memref<128xi32, #tpu.memory_space<vmem>>
        %dma_wait3A_170 = arith.constant 0 : i32
        %dma_wait3A_171 = arith.constant 0 : i32
        %dma_wait3A_172 = tpu.memref_slice %arg6[%dma_wait3A_170, %dma_wait3A_171] : memref<1000000x32xf32, #tpu.memory_space<hbm>> -> memref<1000000x32xf32, #tpu.memory_space<hbm>>
        tpu.wait_indirect_dma semaphore(%arg14 : memref<!tpu.dma_semaphore, #tpu.memory_space<semaphore_mem>>) src(%dma_wait3A_172 : memref<1000000x32xf32, #tpu.memory_space<hbm>>) dst(%dma_wait3A_166 : memref<128x32xf32, #tpu.memory_space<vmem>>)
        %sub3A = arith.constant 3 : i32
        %sub3A_173 = arith.subi %scan3A_151, %sub3A : i32
        %mul3A_174 = arith.constant 4096 : i32
        %mul3A_175 = arith.muli %sub3A_173, %mul3A_174 : i32
        %mul3A_176 = arith.constant 128 : i32
        %mul3A_177 = arith.muli %add3A, %mul3A_176 : i32
        %add3A_178 = arith.addi %mul3A_175, %mul3A_177 : i32
        %multiple_of3A_179 = tpu.assume_multiple %add3A_178, 128 : i32
        %dma_start3A = arith.constant 0 : i32
        %dma_start3A_180 = arith.constant 0 : i32
        %dma_start3A_181 = tpu.memref_slice %arg13[%rem3A_156, %dma_start3A, %dma_start3A_180] : memref<8x128x32xf32, #tpu.memory_space<vmem>> -> memref<1x128x32xf32, #tpu.memory_space<vmem>>
        %dma_start3A_182 = tpu.memref_squeeze %dma_start3A_181 : memref<1x128x32xf32, #tpu.memory_space<vmem>> -> memref<128x32xf32, #tpu.memory_space<vmem>>
        %dma_start3A_183 = arith.constant 0 : i32
        %dma_start3A_184 = tpu.memref_slice %arg7[%multiple_of3A_179, %dma_start3A_183] : memref<1331200x32xf32, #tpu.memory_space<hbm>> -> memref<128x32xf32, #tpu.memory_space<hbm>>
        %dma_start3A_185 = arith.constant 0 : i32
        %dma_start3A_186 = tpu.memref_slice %arg7[%multiple_of3A_179, %dma_start3A_185] : memref<1331200x32xf32, #tpu.memory_space<hbm>> -> memref<128x32xf32, #tpu.memory_space<hbm>>
        %dma_start3A_187 = arith.constant 0 : i32
        %dma_start3A_188 = arith.constant 0 : i32
        %dma_start3A_189 = tpu.memref_slice %arg13[%rem3A_156, %dma_start3A_187, %dma_start3A_188] : memref<8x128x32xf32, #tpu.memory_space<vmem>> -> memref<1x128x32xf32, #tpu.memory_space<vmem>>
        %dma_start3A_190 = tpu.memref_squeeze %dma_start3A_189 : memref<1x128x32xf32, #tpu.memory_space<vmem>> -> memref<128x32xf32, #tpu.memory_space<vmem>>
        tpu.enqueue_dma source(%dma_start3A_190 : memref<128x32xf32, #tpu.memory_space<vmem>>) target(%dma_start3A_186 : memref<128x32xf32, #tpu.memory_space<hbm>>) target_semaphore(%arg15 : memref<!tpu.dma_semaphore, #tpu.memory_space<semaphore_mem>>)
      } else {
      }
    }
    %scan3A_7 = arith.constant 328 : i32
    %mul3A_8 = arith.constant 128 : i32
    %mul3A_9 = arith.muli %add3A, %mul3A_8 : i32
    %add3A_10 = arith.constant 1327104 : i32
    %add3A_11 = arith.addi %add3A_10, %mul3A_9 : i32
    %multiple_of3A_12 = tpu.assume_multiple %add3A_11, 128 : i32
    %dma_wait3A = arith.constant 4 : i32
    %dma_wait3A_13 = arith.constant 0 : i32
    %dma_wait3A_14 = arith.constant 0 : i32
    %dma_wait3A_15 = tpu.memref_slice %arg13[%dma_wait3A, %dma_wait3A_13, %dma_wait3A_14] : memref<8x128x32xf32, #tpu.memory_space<vmem>> -> memref<1x128x32xf32, #tpu.memory_space<vmem>>
    %dma_wait3A_16 = tpu.memref_squeeze %dma_wait3A_15 : memref<1x128x32xf32, #tpu.memory_space<vmem>> -> memref<128x32xf32, #tpu.memory_space<vmem>>
    %dma_wait3A_17 = arith.constant 0 : i32
    %dma_wait3A_18 = tpu.memref_slice %arg7[%multiple_of3A_12, %dma_wait3A_17] : memref<1331200x32xf32, #tpu.memory_space<hbm>> -> memref<128x32xf32, #tpu.memory_space<hbm>>
    %dma_wait3A_19 = arith.constant 0 : i32
    %dma_wait3A_20 = tpu.memref_slice %arg7[%multiple_of3A_12, %dma_wait3A_19] : memref<1331200x32xf32, #tpu.memory_space<hbm>> -> memref<128x32xf32, #tpu.memory_space<hbm>>
    %dma_wait3A_21 = arith.constant 0 : i32
    %dma_wait3A_22 = arith.constant 0 : i32
    %dma_wait3A_23 = tpu.memref_slice %arg13[%dma_wait3A, %dma_wait3A_21, %dma_wait3A_22] : memref<8x128x32xf32, #tpu.memory_space<vmem>> -> memref<1x128x32xf32, #tpu.memory_space<vmem>>
    %dma_wait3A_24 = tpu.memref_squeeze %dma_wait3A_23 : memref<1x128x32xf32, #tpu.memory_space<vmem>> -> memref<128x32xf32, #tpu.memory_space<vmem>>
    tpu.wait_dma2 semaphore(%arg15 : memref<!tpu.dma_semaphore, #tpu.memory_space<semaphore_mem>>) src(%dma_wait3A_24 : memref<128x32xf32, #tpu.memory_space<vmem>>) dst(%dma_wait3A_20 : memref<128x32xf32, #tpu.memory_space<hbm>>)
    %mul3A_25 = arith.constant 128 : i32
    %mul3A_26 = arith.muli %add3A, %mul3A_25 : i32
    %add3A_27 = arith.constant 1323008 : i32
    %add3A_28 = arith.addi %add3A_27, %mul3A_26 : i32
    %multiple_of3A_29 = tpu.assume_multiple %add3A_28, 128 : i32
    %dma_wait3A_30 = arith.constant 3 : i32
    %dma_wait3A_31 = arith.constant 0 : i32
    %dma_wait3A_32 = arith.constant 0 : i32
    %dma_wait3A_33 = tpu.memref_slice %arg13[%dma_wait3A_30, %dma_wait3A_31, %dma_wait3A_32] : memref<8x128x32xf32, #tpu.memory_space<vmem>> -> memref<1x128x32xf32, #tpu.memory_space<vmem>>
    %dma_wait3A_34 = tpu.memref_squeeze %dma_wait3A_33 : memref<1x128x32xf32, #tpu.memory_space<vmem>> -> memref<128x32xf32, #tpu.memory_space<vmem>>
    %dma_wait3A_35 = arith.constant 0 : i32
    %dma_wait3A_36 = tpu.memref_slice %arg7[%multiple_of3A_29, %dma_wait3A_35] : memref<1331200x32xf32, #tpu.memory_space<hbm>> -> memref<128x32xf32, #tpu.memory_space<hbm>>
    %dma_wait3A_37 = arith.constant 0 : i32
    %dma_wait3A_38 = tpu.memref_slice %arg7[%multiple_of3A_29, %dma_wait3A_37] : memref<1331200x32xf32, #tpu.memory_space<hbm>> -> memref<128x32xf32, #tpu.memory_space<hbm>>
    %dma_wait3A_39 = arith.constant 0 : i32
    %dma_wait3A_40 = arith.constant 0 : i32
    %dma_wait3A_41 = tpu.memref_slice %arg13[%dma_wait3A_30, %dma_wait3A_39, %dma_wait3A_40] : memref<8x128x32xf32, #tpu.memory_space<vmem>> -> memref<1x128x32xf32, #tpu.memory_space<vmem>>
    %dma_wait3A_42 = tpu.memref_squeeze %dma_wait3A_41 : memref<1x128x32xf32, #tpu.memory_space<vmem>> -> memref<128x32xf32, #tpu.memory_space<vmem>>
    tpu.wait_dma2 semaphore(%arg15 : memref<!tpu.dma_semaphore, #tpu.memory_space<semaphore_mem>>) src(%dma_wait3A_42 : memref<128x32xf32, #tpu.memory_space<vmem>>) dst(%dma_wait3A_38 : memref<128x32xf32, #tpu.memory_space<hbm>>)
    %mul3A_43 = arith.constant 128 : i32
    %mul3A_44 = arith.muli %add3A, %mul3A_43 : i32
    %add3A_45 = arith.constant 1318912 : i32
    %add3A_46 = arith.addi %add3A_45, %mul3A_44 : i32
    %multiple_of3A_47 = tpu.assume_multiple %add3A_46, 128 : i32
    %dma_wait3A_48 = arith.constant 2 : i32
    %dma_wait3A_49 = arith.constant 0 : i32
    %dma_wait3A_50 = arith.constant 0 : i32
    %dma_wait3A_51 = tpu.memref_slice %arg13[%dma_wait3A_48, %dma_wait3A_49, %dma_wait3A_50] : memref<8x128x32xf32, #tpu.memory_space<vmem>> -> memref<1x128x32xf32, #tpu.memory_space<vmem>>
    %dma_wait3A_52 = tpu.memref_squeeze %dma_wait3A_51 : memref<1x128x32xf32, #tpu.memory_space<vmem>> -> memref<128x32xf32, #tpu.memory_space<vmem>>
    %dma_wait3A_53 = arith.constant 0 : i32
    %dma_wait3A_54 = tpu.memref_slice %arg7[%multiple_of3A_47, %dma_wait3A_53] : memref<1331200x32xf32, #tpu.memory_space<hbm>> -> memref<128x32xf32, #tpu.memory_space<hbm>>
    %dma_wait3A_55 = arith.constant 0 : i32
    %dma_wait3A_56 = tpu.memref_slice %arg7[%multiple_of3A_47, %dma_wait3A_55] : memref<1331200x32xf32, #tpu.memory_space<hbm>> -> memref<128x32xf32, #tpu.memory_space<hbm>>
    %dma_wait3A_57 = arith.constant 0 : i32
    %dma_wait3A_58 = arith.constant 0 : i32
    %dma_wait3A_59 = tpu.memref_slice %arg13[%dma_wait3A_48, %dma_wait3A_57, %dma_wait3A_58] : memref<8x128x32xf32, #tpu.memory_space<vmem>> -> memref<1x128x32xf32, #tpu.memory_space<vmem>>
    %dma_wait3A_60 = tpu.memref_squeeze %dma_wait3A_59 : memref<1x128x32xf32, #tpu.memory_space<vmem>> -> memref<128x32xf32, #tpu.memory_space<vmem>>
    tpu.wait_dma2 semaphore(%arg15 : memref<!tpu.dma_semaphore, #tpu.memory_space<semaphore_mem>>) src(%dma_wait3A_60 : memref<128x32xf32, #tpu.memory_space<vmem>>) dst(%dma_wait3A_56 : memref<128x32xf32, #tpu.memory_space<hbm>>)
    %mul3A_61 = arith.constant 128 : i32
    %mul3A_62 = arith.muli %add3A, %mul3A_61 : i32
    %add3A_63 = arith.constant 1314816 : i32
    %add3A_64 = arith.addi %add3A_63, %mul3A_62 : i32
    %multiple_of3A_65 = tpu.assume_multiple %add3A_64, 128 : i32
    %dma_wait3A_66 = arith.constant 1 : i32
    %dma_wait3A_67 = arith.constant 0 : i32
    %dma_wait3A_68 = arith.constant 0 : i32
    %dma_wait3A_69 = tpu.memref_slice %arg13[%dma_wait3A_66, %dma_wait3A_67, %dma_wait3A_68] : memref<8x128x32xf32, #tpu.memory_space<vmem>> -> memref<1x128x32xf32, #tpu.memory_space<vmem>>
    %dma_wait3A_70 = tpu.memref_squeeze %dma_wait3A_69 : memref<1x128x32xf32, #tpu.memory_space<vmem>> -> memref<128x32xf32, #tpu.memory_space<vmem>>
    %dma_wait3A_71 = arith.constant 0 : i32
    %dma_wait3A_72 = tpu.memref_slice %arg7[%multiple_of3A_65, %dma_wait3A_71] : memref<1331200x32xf32, #tpu.memory_space<hbm>> -> memref<128x32xf32, #tpu.memory_space<hbm>>
    %dma_wait3A_73 = arith.constant 0 : i32
    %dma_wait3A_74 = tpu.memref_slice %arg7[%multiple_of3A_65, %dma_wait3A_73] : memref<1331200x32xf32, #tpu.memory_space<hbm>> -> memref<128x32xf32, #tpu.memory_space<hbm>>
    %dma_wait3A_75 = arith.constant 0 : i32
    %dma_wait3A_76 = arith.constant 0 : i32
    %dma_wait3A_77 = tpu.memref_slice %arg13[%dma_wait3A_66, %dma_wait3A_75, %dma_wait3A_76] : memref<8x128x32xf32, #tpu.memory_space<vmem>> -> memref<1x128x32xf32, #tpu.memory_space<vmem>>
    %dma_wait3A_78 = tpu.memref_squeeze %dma_wait3A_77 : memref<1x128x32xf32, #tpu.memory_space<vmem>> -> memref<128x32xf32, #tpu.memory_space<vmem>>
    tpu.wait_dma2 semaphore(%arg15 : memref<!tpu.dma_semaphore, #tpu.memory_space<semaphore_mem>>) src(%dma_wait3A_78 : memref<128x32xf32, #tpu.memory_space<vmem>>) dst(%dma_wait3A_74 : memref<128x32xf32, #tpu.memory_space<hbm>>)
    %mul3A_79 = arith.constant 128 : i32
    %mul3A_80 = arith.muli %add3A, %mul3A_79 : i32
    %add3A_81 = arith.constant 1310720 : i32
    %add3A_82 = arith.addi %add3A_81, %mul3A_80 : i32
    %multiple_of3A_83 = tpu.assume_multiple %add3A_82, 128 : i32
    %dma_wait3A_84 = arith.constant 0 : i32
    %dma_wait3A_85 = arith.constant 0 : i32
    %dma_wait3A_86 = arith.constant 0 : i32
    %dma_wait3A_87 = tpu.memref_slice %arg13[%dma_wait3A_84, %dma_wait3A_85, %dma_wait3A_86] : memref<8x128x32xf32, #tpu.memory_space<vmem>> -> memref<1x128x32xf32, #tpu.memory_space<vmem>>
    %dma_wait3A_88 = tpu.memref_squeeze %dma_wait3A_87 : memref<1x128x32xf32, #tpu.memory_space<vmem>> -> memref<128x32xf32, #tpu.memory_space<vmem>>
    %dma_wait3A_89 = arith.constant 0 : i32
    %dma_wait3A_90 = tpu.memref_slice %arg7[%multiple_of3A_83, %dma_wait3A_89] : memref<1331200x32xf32, #tpu.memory_space<hbm>> -> memref<128x32xf32, #tpu.memory_space<hbm>>
    %dma_wait3A_91 = arith.constant 0 : i32
    %dma_wait3A_92 = tpu.memref_slice %arg7[%multiple_of3A_83, %dma_wait3A_91] : memref<1331200x32xf32, #tpu.memory_space<hbm>> -> memref<128x32xf32, #tpu.memory_space<hbm>>
    %dma_wait3A_93 = arith.constant 0 : i32
    %dma_wait3A_94 = arith.constant 0 : i32
    %dma_wait3A_95 = tpu.memref_slice %arg13[%dma_wait3A_84, %dma_wait3A_93, %dma_wait3A_94] : memref<8x128x32xf32, #tpu.memory_space<vmem>> -> memref<1x128x32xf32, #tpu.memory_space<vmem>>
    %dma_wait3A_96 = tpu.memref_squeeze %dma_wait3A_95 : memref<1x128x32xf32, #tpu.memory_space<vmem>> -> memref<128x32xf32, #tpu.memory_space<vmem>>
    tpu.wait_dma2 semaphore(%arg15 : memref<!tpu.dma_semaphore, #tpu.memory_space<semaphore_mem>>) src(%dma_wait3A_96 : memref<128x32xf32, #tpu.memory_space<vmem>>) dst(%dma_wait3A_92 : memref<128x32xf32, #tpu.memory_space<hbm>>)
    %mul3A_97 = arith.constant 128 : i32
    %mul3A_98 = arith.muli %add3A, %mul3A_97 : i32
    %add3A_99 = arith.constant 1306624 : i32
    %add3A_100 = arith.addi %add3A_99, %mul3A_98 : i32
    %multiple_of3A_101 = tpu.assume_multiple %add3A_100, 128 : i32
    %dma_wait3A_102 = arith.constant 7 : i32
    %dma_wait3A_103 = arith.constant 0 : i32
    %dma_wait3A_104 = arith.constant 0 : i32
    %dma_wait3A_105 = tpu.memref_slice %arg13[%dma_wait3A_102, %dma_wait3A_103, %dma_wait3A_104] : memref<8x128x32xf32, #tpu.memory_space<vmem>> -> memref<1x128x32xf32, #tpu.memory_space<vmem>>
    %dma_wait3A_106 = tpu.memref_squeeze %dma_wait3A_105 : memref<1x128x32xf32, #tpu.memory_space<vmem>> -> memref<128x32xf32, #tpu.memory_space<vmem>>
    %dma_wait3A_107 = arith.constant 0 : i32
    %dma_wait3A_108 = tpu.memref_slice %arg7[%multiple_of3A_101, %dma_wait3A_107] : memref<1331200x32xf32, #tpu.memory_space<hbm>> -> memref<128x32xf32, #tpu.memory_space<hbm>>
    %dma_wait3A_109 = arith.constant 0 : i32
    %dma_wait3A_110 = tpu.memref_slice %arg7[%multiple_of3A_101, %dma_wait3A_109] : memref<1331200x32xf32, #tpu.memory_space<hbm>> -> memref<128x32xf32, #tpu.memory_space<hbm>>
    %dma_wait3A_111 = arith.constant 0 : i32
    %dma_wait3A_112 = arith.constant 0 : i32
    %dma_wait3A_113 = tpu.memref_slice %arg13[%dma_wait3A_102, %dma_wait3A_111, %dma_wait3A_112] : memref<8x128x32xf32, #tpu.memory_space<vmem>> -> memref<1x128x32xf32, #tpu.memory_space<vmem>>
    %dma_wait3A_114 = tpu.memref_squeeze %dma_wait3A_113 : memref<1x128x32xf32, #tpu.memory_space<vmem>> -> memref<128x32xf32, #tpu.memory_space<vmem>>
    tpu.wait_dma2 semaphore(%arg15 : memref<!tpu.dma_semaphore, #tpu.memory_space<semaphore_mem>>) src(%dma_wait3A_114 : memref<128x32xf32, #tpu.memory_space<vmem>>) dst(%dma_wait3A_110 : memref<128x32xf32, #tpu.memory_space<hbm>>)
    %mul3A_115 = arith.constant 128 : i32
    %mul3A_116 = arith.muli %add3A, %mul3A_115 : i32
    %add3A_117 = arith.constant 1302528 : i32
    %add3A_118 = arith.addi %add3A_117, %mul3A_116 : i32
    %multiple_of3A_119 = tpu.assume_multiple %add3A_118, 128 : i32
    %dma_wait3A_120 = arith.constant 6 : i32
    %dma_wait3A_121 = arith.constant 0 : i32
    %dma_wait3A_122 = arith.constant 0 : i32
    %dma_wait3A_123 = tpu.memref_slice %arg13[%dma_wait3A_120, %dma_wait3A_121, %dma_wait3A_122] : memref<8x128x32xf32, #tpu.memory_space<vmem>> -> memref<1x128x32xf32, #tpu.memory_space<vmem>>
    %dma_wait3A_124 = tpu.memref_squeeze %dma_wait3A_123 : memref<1x128x32xf32, #tpu.memory_space<vmem>> -> memref<128x32xf32, #tpu.memory_space<vmem>>
    %dma_wait3A_125 = arith.constant 0 : i32
    %dma_wait3A_126 = tpu.memref_slice %arg7[%multiple_of3A_119, %dma_wait3A_125] : memref<1331200x32xf32, #tpu.memory_space<hbm>> -> memref<128x32xf32, #tpu.memory_space<hbm>>
    %dma_wait3A_127 = arith.constant 0 : i32
    %dma_wait3A_128 = tpu.memref_slice %arg7[%multiple_of3A_119, %dma_wait3A_127] : memref<1331200x32xf32, #tpu.memory_space<hbm>> -> memref<128x32xf32, #tpu.memory_space<hbm>>
    %dma_wait3A_129 = arith.constant 0 : i32
    %dma_wait3A_130 = arith.constant 0 : i32
    %dma_wait3A_131 = tpu.memref_slice %arg13[%dma_wait3A_120, %dma_wait3A_129, %dma_wait3A_130] : memref<8x128x32xf32, #tpu.memory_space<vmem>> -> memref<1x128x32xf32, #tpu.memory_space<vmem>>
    %dma_wait3A_132 = tpu.memref_squeeze %dma_wait3A_131 : memref<1x128x32xf32, #tpu.memory_space<vmem>> -> memref<128x32xf32, #tpu.memory_space<vmem>>
    tpu.wait_dma2 semaphore(%arg15 : memref<!tpu.dma_semaphore, #tpu.memory_space<semaphore_mem>>) src(%dma_wait3A_132 : memref<128x32xf32, #tpu.memory_space<vmem>>) dst(%dma_wait3A_128 : memref<128x32xf32, #tpu.memory_space<hbm>>)
    %mul3A_133 = arith.constant 128 : i32
    %mul3A_134 = arith.muli %add3A, %mul3A_133 : i32
    %add3A_135 = arith.constant 1298432 : i32
    %add3A_136 = arith.addi %add3A_135, %mul3A_134 : i32
    %multiple_of3A_137 = tpu.assume_multiple %add3A_136, 128 : i32
    %dma_wait3A_138 = arith.constant 5 : i32
    %dma_wait3A_139 = arith.constant 0 : i32
    %dma_wait3A_140 = arith.constant 0 : i32
    %dma_wait3A_141 = tpu.memref_slice %arg13[%dma_wait3A_138, %dma_wait3A_139, %dma_wait3A_140] : memref<8x128x32xf32, #tpu.memory_space<vmem>> -> memref<1x128x32xf32, #tpu.memory_space<vmem>>
    %dma_wait3A_142 = tpu.memref_squeeze %dma_wait3A_141 : memref<1x128x32xf32, #tpu.memory_space<vmem>> -> memref<128x32xf32, #tpu.memory_space<vmem>>
    %dma_wait3A_143 = arith.constant 0 : i32
    %dma_wait3A_144 = tpu.memref_slice %arg7[%multiple_of3A_137, %dma_wait3A_143] : memref<1331200x32xf32, #tpu.memory_space<hbm>> -> memref<128x32xf32, #tpu.memory_space<hbm>>
    %dma_wait3A_145 = arith.constant 0 : i32
    %dma_wait3A_146 = tpu.memref_slice %arg7[%multiple_of3A_137, %dma_wait3A_145] : memref<1331200x32xf32, #tpu.memory_space<hbm>> -> memref<128x32xf32, #tpu.memory_space<hbm>>
    %dma_wait3A_147 = arith.constant 0 : i32
    %dma_wait3A_148 = arith.constant 0 : i32
    %dma_wait3A_149 = tpu.memref_slice %arg13[%dma_wait3A_138, %dma_wait3A_147, %dma_wait3A_148] : memref<8x128x32xf32, #tpu.memory_space<vmem>> -> memref<1x128x32xf32, #tpu.memory_space<vmem>>
    %dma_wait3A_150 = tpu.memref_squeeze %dma_wait3A_149 : memref<1x128x32xf32, #tpu.memory_space<vmem>> -> memref<128x32xf32, #tpu.memory_space<vmem>>
    tpu.wait_dma2 semaphore(%arg15 : memref<!tpu.dma_semaphore, #tpu.memory_space<semaphore_mem>>) src(%dma_wait3A_150 : memref<128x32xf32, #tpu.memory_space<vmem>>) dst(%dma_wait3A_146 : memref<128x32xf32, #tpu.memory_space<hbm>>)
    return
  }
}

module attributes {stable_mosaic.version = 14 : i64} {
  func.func @_senet_body(%arg0: i32, %arg1: memref<256x416xf32, #tpu.memory_space<vmem>>, %arg2: memref<416x416xf32, #tpu.memory_space<vmem>>, %arg3: memref<416x325xf32, #tpu.memory_space<vmem>>, %arg4: memref<325x650xf32, #tpu.memory_space<vmem>>, %arg5: memref<325x256xf32, #tpu.memory_space<vmem>>, %arg6: memref<256x650xf32, #tpu.memory_space<vmem>>) attributes {dimension_semantics = [#tpu.dimension_semantics<arbitrary>], iteration_bounds = array<i64: 16>, scalar_prefetch = 0 : i64, scratch_operands = 0 : i64, tpu.core_type = #tpu.core_type<tc>, window_params = [{transform_indices = @transform_0, window_bounds = array<i64: 256, 416>}, {pipeline_mode = #tpu.pipeline_mode<synchronous>, transform_indices = @transform_1, window_bounds = array<i64: 416, 416>}, {pipeline_mode = #tpu.pipeline_mode<synchronous>, transform_indices = @transform_2, window_bounds = array<i64: 416, 325>}, {pipeline_mode = #tpu.pipeline_mode<synchronous>, transform_indices = @transform_3, window_bounds = array<i64: 325, 650>}, {transform_indices = @transform_4, window_bounds = array<i64: 325, 256>}, {transform_indices = @transform_5, window_bounds = array<i64: 256, 650>}]} {
    %get3A = arith.constant 0 : index
    %get3A_0 = arith.constant 0 : index
    %get3A_1 = vector.load %arg1[%get3A, %get3A_0] : memref<256x416xf32, #tpu.memory_space<vmem>>, vector<256x416xf32>
    %get3A_2 = arith.constant 0 : index
    %get3A_3 = arith.constant 0 : index
    %get3A_4 = vector.load %arg2[%get3A_2, %get3A_3] : memref<416x416xf32, #tpu.memory_space<vmem>>, vector<416x416xf32>
    %dot_general3A = arith.constant dense<0.000000e+00> : vector<256x416xf32>
    %dot_general3A_5 = tpu.matmul %get3A_1, %get3A_4, %dot_general3A {dimension_numbers = #tpu.dot_dimension_numbers<[1], [0], [0], [1], [0, 0, 1, 1], [], []>, transpose_lhs_hint = false} : vector<256x416xf32>, vector<416x416xf32>, vector<256x416xf32> -> vector<256x416xf32>
    %get3A_6 = arith.constant 0 : index
    %get3A_7 = arith.constant 0 : index
    %get3A_8 = vector.load %arg3[%get3A_6, %get3A_7] : memref<416x325xf32, #tpu.memory_space<vmem>>, vector<416x325xf32>
    %dot_general3A_9 = arith.constant dense<0.000000e+00> : vector<256x325xf32>
    %dot_general3A_10 = tpu.matmul %dot_general3A_5, %get3A_8, %dot_general3A_9 {dimension_numbers = #tpu.dot_dimension_numbers<[1], [0], [0], [1], [0, 0, 1, 1], [], []>, transpose_lhs_hint = false} : vector<256x416xf32>, vector<416x325xf32>, vector<256x325xf32> -> vector<256x325xf32>
    %get3A_11 = arith.constant 0 : index
    %get3A_12 = arith.constant 0 : index
    %get3A_13 = vector.load %arg3[%get3A_11, %get3A_12] : memref<416x325xf32, #tpu.memory_space<vmem>>, vector<416x325xf32>
    %dot_general3A_14 = arith.constant dense<0.000000e+00> : vector<325x256xf32>
    %dot_general3A_15 = tpu.matmul %get3A_13, %dot_general3A_5, %dot_general3A_14 {dimension_numbers = #tpu.dot_dimension_numbers<[0], [1], [1], [0], [0, 1, 1, 0], [], []>, transpose_lhs_hint = false} : vector<416x325xf32>, vector<256x416xf32>, vector<325x256xf32> -> vector<325x256xf32>
    %swap3A = arith.constant 0 : index
    %swap3A_16 = arith.constant 0 : index
    %swap3A_17 = vector.load %arg5[%swap3A, %swap3A_16] : memref<325x256xf32, #tpu.memory_space<vmem>>, vector<325x256xf32>
    tpu.vector_store %arg5[%swap3A, %swap3A_16], %dot_general3A_15 {strides = array<i32>} : memref<325x256xf32, #tpu.memory_space<vmem>>, vector<325x256xf32>,
    %get3A_18 = arith.constant 0 : index
    %get3A_19 = arith.constant 0 : index
    %get3A_20 = vector.load %arg4[%get3A_18, %get3A_19] : memref<325x650xf32, #tpu.memory_space<vmem>>, vector<325x650xf32>
    %dot_general3A_21 = arith.constant dense<0.000000e+00> : vector<256x650xf32>
    %dot_general3A_22 = tpu.matmul %dot_general3A_10, %get3A_20, %dot_general3A_21 {dimension_numbers = #tpu.dot_dimension_numbers<[1], [0], [0], [1], [0, 0, 1, 1], [], []>, transpose_lhs_hint = false} : vector<256x325xf32>, vector<325x650xf32>, vector<256x650xf32> -> vector<256x650xf32>
    %swap3A_23 = arith.constant 0 : index
    %swap3A_24 = arith.constant 0 : index
    %swap3A_25 = vector.load %arg6[%swap3A_23, %swap3A_24] : memref<256x650xf32, #tpu.memory_space<vmem>>, vector<256x650xf32>
    tpu.vector_store %arg6[%swap3A_23, %swap3A_24], %dot_general3A_22 {strides = array<i32>} : memref<256x650xf32, #tpu.memory_space<vmem>>, vector<256x650xf32>,
    return
  }
  func.func @transform_0(%arg0: i32) -> (i32, i32) {
    %c0_i32 = arith.constant 0 : i32
    %c0_i32_0 = arith.constant 0 : i32
    return %arg0, %c0_i32 : i32, i32
  }
  func.func @transform_1(%arg0: i32) -> (i32, i32) {
    %c0_i32 = arith.constant 0 : i32
    %c0_i32_0 = arith.constant 0 : i32
    %c0_i32_1 = arith.constant 0 : i32
    return %c0_i32, %c0_i32_0 : i32, i32
  }
  func.func @transform_2(%arg0: i32) -> (i32, i32) {
    %c0_i32 = arith.constant 0 : i32
    %c0_i32_0 = arith.constant 0 : i32
    %c0_i32_1 = arith.constant 0 : i32
    return %c0_i32, %c0_i32_0 : i32, i32
  }
  func.func @transform_3(%arg0: i32) -> (i32, i32) {
    %c0_i32 = arith.constant 0 : i32
    %c0_i32_0 = arith.constant 0 : i32
    %c0_i32_1 = arith.constant 0 : i32
    return %c0_i32, %c0_i32_0 : i32, i32
  }
  func.func @transform_4(%arg0: i32) -> (i32, i32) {
    %c0_i32 = arith.constant 0 : i32
    %c0_i32_0 = arith.constant 0 : i32
    return %c0_i32, %arg0 : i32, i32
  }
  func.func @transform_5(%arg0: i32) -> (i32, i32) {
    %c0_i32 = arith.constant 0 : i32
    %c0_i32_0 = arith.constant 0 : i32
    return %arg0, %c0_i32 : i32, i32
  }
}

module attributes {stable_mosaic.version = 14 : i64} {
  func.func @_merge_body(%arg0: i32, %arg1: memref<325x32x128xf32, #tpu.memory_space<vmem>>, %arg2: memref<325x128xf32, #tpu.memory_space<vmem>>, %arg3: memref<26x325xf32, #tpu.memory_space<vmem>>, %arg4: memref<128x4096xf32, #tpu.memory_space<vmem>>, %arg5: memref<26x32x128xf32, #tpu.memory_space<vmem>>) attributes {dimension_semantics = [#tpu.dimension_semantics<arbitrary>], iteration_bounds = array<i64: 32>, scalar_prefetch = 0 : i64, scratch_operands = 0 : i64, tpu.core_type = #tpu.core_type<tc>, window_params = [{transform_indices = @transform_0, window_bounds = array<i64: 325, 32, 128>}, {transform_indices = @transform_1, window_bounds = array<i64: 325, 128>}, {pipeline_mode = #tpu.pipeline_mode<synchronous>, transform_indices = @transform_2, window_bounds = array<i64: 26, 325>}, {pipeline_mode = #tpu.pipeline_mode<synchronous>, transform_indices = @transform_3, window_bounds = array<i64: 128, 4096>}, {transform_indices = @transform_4, window_bounds = array<i64: 26, 32, 128>}]} {
    %broadcast_in_dim3A = arith.constant 0.000000e+00 : f32
    %broadcast_in_dim3A_0 = vector.broadcast %broadcast_in_dim3A : f32 to vector<26x4096xf32>
    %get3A = arith.constant 0 : index
    %get3A_1 = arith.constant 0 : index
    %get3A_2 = arith.constant 0 : index
    %get3A_3 = vector.load %arg1[%get3A, %get3A_1, %get3A_2] : memref<325x32x128xf32, #tpu.memory_space<vmem>>, vector<65x32x128xf32>
    %get3A_4 = arith.constant 0 : index
    %get3A_5 = arith.constant 0 : index
    %get3A_6 = vector.load %arg2[%get3A_4, %get3A_5] : memref<325x128xf32, #tpu.memory_space<vmem>>, vector<65x128xf32>
    %get3A_7 = arith.constant 0 : index
    %get3A_8 = arith.constant 0 : index
    %get3A_9 = vector.load %arg4[%get3A_7, %get3A_8] : memref<128x4096xf32, #tpu.memory_space<vmem>>, vector<128x4096xf32>
    %dot_general3A = arith.constant dense<0.000000e+00> : vector<65x4096xf32>
    %dot_general3A_10 = tpu.matmul %get3A_6, %get3A_9, %dot_general3A {dimension_numbers = #tpu.dot_dimension_numbers<[1], [0], [0], [1], [0, 0, 1, 1], [], []>, transpose_lhs_hint = false} : vector<65x128xf32>, vector<128x4096xf32>, vector<65x4096xf32> -> vector<65x4096xf32>
    %reshape3A = vector.shape_cast %get3A_3 : vector<65x32x128xf32> to vector<65x4096xf32>
    %mul3A = arith.mulf %reshape3A, %dot_general3A_10 : vector<65x4096xf32>
    %get3A_11 = arith.constant 0 : index
    %get3A_12 = arith.constant 0 : index
    %get3A_13 = vector.load %arg3[%get3A_11, %get3A_12] : memref<26x325xf32, #tpu.memory_space<vmem>>, vector<26x65xf32>
    %convert_element_type3A = arith.truncf %get3A_13 : vector<26x65xf32> to vector<26x65xbf16>
    %convert_element_type3A_14 = arith.truncf %mul3A : vector<65x4096xf32> to vector<65x4096xbf16>
    %dot_general3A_15 = arith.constant dense<0.000000e+00> : vector<26x4096xf32>
    %dot_general3A_16 = tpu.matmul %convert_element_type3A, %convert_element_type3A_14, %dot_general3A_15 {dimension_numbers = #tpu.dot_dimension_numbers<[1], [0], [0], [1], [0, 0, 1, 1], [], []>, transpose_lhs_hint = false} : vector<26x65xbf16>, vector<65x4096xbf16>, vector<26x4096xf32> -> vector<26x4096xf32>
    %add3A = arith.addf %broadcast_in_dim3A_0, %dot_general3A_16 : vector<26x4096xf32>
    %get3A_17 = arith.constant 65 : index
    %get3A_18 = arith.constant 0 : index
    %get3A_19 = arith.constant 0 : index
    %get3A_20 = vector.load %arg1[%get3A_17, %get3A_18, %get3A_19] : memref<325x32x128xf32, #tpu.memory_space<vmem>>, vector<65x32x128xf32>
    %get3A_21 = arith.constant 65 : index
    %get3A_22 = arith.constant 0 : index
    %get3A_23 = vector.load %arg2[%get3A_21, %get3A_22] : memref<325x128xf32, #tpu.memory_space<vmem>>, vector<65x128xf32>
    %get3A_24 = arith.constant 0 : index
    %get3A_25 = arith.constant 0 : index
    %get3A_26 = vector.load %arg4[%get3A_24, %get3A_25] : memref<128x4096xf32, #tpu.memory_space<vmem>>, vector<128x4096xf32>
    %dot_general3A_27 = arith.constant dense<0.000000e+00> : vector<65x4096xf32>
    %dot_general3A_28 = tpu.matmul %get3A_23, %get3A_26, %dot_general3A_27 {dimension_numbers = #tpu.dot_dimension_numbers<[1], [0], [0], [1], [0, 0, 1, 1], [], []>, transpose_lhs_hint = false} : vector<65x128xf32>, vector<128x4096xf32>, vector<65x4096xf32> -> vector<65x4096xf32>
    %reshape3A_29 = vector.shape_cast %get3A_20 : vector<65x32x128xf32> to vector<65x4096xf32>
    %mul3A_30 = arith.mulf %reshape3A_29, %dot_general3A_28 : vector<65x4096xf32>
    %get3A_31 = arith.constant 0 : index
    %get3A_32 = arith.constant 65 : index
    %get3A_33 = vector.load %arg3[%get3A_31, %get3A_32] : memref<26x325xf32, #tpu.memory_space<vmem>>, vector<26x65xf32>
    %convert_element_type3A_34 = arith.truncf %get3A_33 : vector<26x65xf32> to vector<26x65xbf16>
    %convert_element_type3A_35 = arith.truncf %mul3A_30 : vector<65x4096xf32> to vector<65x4096xbf16>
    %dot_general3A_36 = arith.constant dense<0.000000e+00> : vector<26x4096xf32>
    %dot_general3A_37 = tpu.matmul %convert_element_type3A_34, %convert_element_type3A_35, %dot_general3A_36 {dimension_numbers = #tpu.dot_dimension_numbers<[1], [0], [0], [1], [0, 0, 1, 1], [], []>, transpose_lhs_hint = false} : vector<26x65xbf16>, vector<65x4096xbf16>, vector<26x4096xf32> -> vector<26x4096xf32>
    %add3A_38 = arith.addf %add3A, %dot_general3A_37 : vector<26x4096xf32>
    %get3A_39 = arith.constant 130 : index
    %get3A_40 = arith.constant 0 : index
    %get3A_41 = arith.constant 0 : index
    %get3A_42 = vector.load %arg1[%get3A_39, %get3A_40, %get3A_41] : memref<325x32x128xf32, #tpu.memory_space<vmem>>, vector<65x32x128xf32>
    %get3A_43 = arith.constant 130 : index
    %get3A_44 = arith.constant 0 : index
    %get3A_45 = vector.load %arg2[%get3A_43, %get3A_44] : memref<325x128xf32, #tpu.memory_space<vmem>>, vector<65x128xf32>
    %get3A_46 = arith.constant 0 : index
    %get3A_47 = arith.constant 0 : index
    %get3A_48 = vector.load %arg4[%get3A_46, %get3A_47] : memref<128x4096xf32, #tpu.memory_space<vmem>>, vector<128x4096xf32>
    %dot_general3A_49 = arith.constant dense<0.000000e+00> : vector<65x4096xf32>
    %dot_general3A_50 = tpu.matmul %get3A_45, %get3A_48, %dot_general3A_49 {dimension_numbers = #tpu.dot_dimension_numbers<[1], [0], [0], [1], [0, 0, 1, 1], [], []>, transpose_lhs_hint = false} : vector<65x128xf32>, vector<128x4096xf32>, vector<65x4096xf32> -> vector<65x4096xf32>
    %reshape3A_51 = vector.shape_cast %get3A_42 : vector<65x32x128xf32> to vector<65x4096xf32>
    %mul3A_52 = arith.mulf %reshape3A_51, %dot_general3A_50 : vector<65x4096xf32>
    %get3A_53 = arith.constant 0 : index
    %get3A_54 = arith.constant 130 : index
    %get3A_55 = vector.load %arg3[%get3A_53, %get3A_54] : memref<26x325xf32, #tpu.memory_space<vmem>>, vector<26x65xf32>
    %convert_element_type3A_56 = arith.truncf %get3A_55 : vector<26x65xf32> to vector<26x65xbf16>
    %convert_element_type3A_57 = arith.truncf %mul3A_52 : vector<65x4096xf32> to vector<65x4096xbf16>
    %dot_general3A_58 = arith.constant dense<0.000000e+00> : vector<26x4096xf32>
    %dot_general3A_59 = tpu.matmul %convert_element_type3A_56, %convert_element_type3A_57, %dot_general3A_58 {dimension_numbers = #tpu.dot_dimension_numbers<[1], [0], [0], [1], [0, 0, 1, 1], [], []>, transpose_lhs_hint = false} : vector<26x65xbf16>, vector<65x4096xbf16>, vector<26x4096xf32> -> vector<26x4096xf32>
    %add3A_60 = arith.addf %add3A_38, %dot_general3A_59 : vector<26x4096xf32>
    %get3A_61 = arith.constant 195 : index
    %get3A_62 = arith.constant 0 : index
    %get3A_63 = arith.constant 0 : index
    %get3A_64 = vector.load %arg1[%get3A_61, %get3A_62, %get3A_63] : memref<325x32x128xf32, #tpu.memory_space<vmem>>, vector<65x32x128xf32>
    %get3A_65 = arith.constant 195 : index
    %get3A_66 = arith.constant 0 : index
    %get3A_67 = vector.load %arg2[%get3A_65, %get3A_66] : memref<325x128xf32, #tpu.memory_space<vmem>>, vector<65x128xf32>
    %get3A_68 = arith.constant 0 : index
    %get3A_69 = arith.constant 0 : index
    %get3A_70 = vector.load %arg4[%get3A_68, %get3A_69] : memref<128x4096xf32, #tpu.memory_space<vmem>>, vector<128x4096xf32>
    %dot_general3A_71 = arith.constant dense<0.000000e+00> : vector<65x4096xf32>
    %dot_general3A_72 = tpu.matmul %get3A_67, %get3A_70, %dot_general3A_71 {dimension_numbers = #tpu.dot_dimension_numbers<[1], [0], [0], [1], [0, 0, 1, 1], [], []>, transpose_lhs_hint = false} : vector<65x128xf32>, vector<128x4096xf32>, vector<65x4096xf32> -> vector<65x4096xf32>
    %reshape3A_73 = vector.shape_cast %get3A_64 : vector<65x32x128xf32> to vector<65x4096xf32>
    %mul3A_74 = arith.mulf %reshape3A_73, %dot_general3A_72 : vector<65x4096xf32>
    %get3A_75 = arith.constant 0 : index
    %get3A_76 = arith.constant 195 : index
    %get3A_77 = vector.load %arg3[%get3A_75, %get3A_76] : memref<26x325xf32, #tpu.memory_space<vmem>>, vector<26x65xf32>
    %convert_element_type3A_78 = arith.truncf %get3A_77 : vector<26x65xf32> to vector<26x65xbf16>
    %convert_element_type3A_79 = arith.truncf %mul3A_74 : vector<65x4096xf32> to vector<65x4096xbf16>
    %dot_general3A_80 = arith.constant dense<0.000000e+00> : vector<26x4096xf32>
    %dot_general3A_81 = tpu.matmul %convert_element_type3A_78, %convert_element_type3A_79, %dot_general3A_80 {dimension_numbers = #tpu.dot_dimension_numbers<[1], [0], [0], [1], [0, 0, 1, 1], [], []>, transpose_lhs_hint = false} : vector<26x65xbf16>, vector<65x4096xbf16>, vector<26x4096xf32> -> vector<26x4096xf32>
    %add3A_82 = arith.addf %add3A_60, %dot_general3A_81 : vector<26x4096xf32>
    %get3A_83 = arith.constant 260 : index
    %get3A_84 = arith.constant 0 : index
    %get3A_85 = arith.constant 0 : index
    %get3A_86 = vector.load %arg1[%get3A_83, %get3A_84, %get3A_85] : memref<325x32x128xf32, #tpu.memory_space<vmem>>, vector<65x32x128xf32>
    %get3A_87 = arith.constant 260 : index
    %get3A_88 = arith.constant 0 : index
    %get3A_89 = vector.load %arg2[%get3A_87, %get3A_88] : memref<325x128xf32, #tpu.memory_space<vmem>>, vector<65x128xf32>
    %get3A_90 = arith.constant 0 : index
    %get3A_91 = arith.constant 0 : index
    %get3A_92 = vector.load %arg4[%get3A_90, %get3A_91] : memref<128x4096xf32, #tpu.memory_space<vmem>>, vector<128x4096xf32>
    %dot_general3A_93 = arith.constant dense<0.000000e+00> : vector<65x4096xf32>
    %dot_general3A_94 = tpu.matmul %get3A_89, %get3A_92, %dot_general3A_93 {dimension_numbers = #tpu.dot_dimension_numbers<[1], [0], [0], [1], [0, 0, 1, 1], [], []>, transpose_lhs_hint = false} : vector<65x128xf32>, vector<128x4096xf32>, vector<65x4096xf32> -> vector<65x4096xf32>
    %reshape3A_95 = vector.shape_cast %get3A_86 : vector<65x32x128xf32> to vector<65x4096xf32>
    %mul3A_96 = arith.mulf %reshape3A_95, %dot_general3A_94 : vector<65x4096xf32>
    %get3A_97 = arith.constant 0 : index
    %get3A_98 = arith.constant 260 : index
    %get3A_99 = vector.load %arg3[%get3A_97, %get3A_98] : memref<26x325xf32, #tpu.memory_space<vmem>>, vector<26x65xf32>
    %convert_element_type3A_100 = arith.truncf %get3A_99 : vector<26x65xf32> to vector<26x65xbf16>
    %convert_element_type3A_101 = arith.truncf %mul3A_96 : vector<65x4096xf32> to vector<65x4096xbf16>
    %dot_general3A_102 = arith.constant dense<0.000000e+00> : vector<26x4096xf32>
    %dot_general3A_103 = tpu.matmul %convert_element_type3A_100, %convert_element_type3A_101, %dot_general3A_102 {dimension_numbers = #tpu.dot_dimension_numbers<[1], [0], [0], [1], [0, 0, 1, 1], [], []>, transpose_lhs_hint = false} : vector<26x65xbf16>, vector<65x4096xbf16>, vector<26x4096xf32> -> vector<26x4096xf32>
    %add3A_104 = arith.addf %add3A_82, %dot_general3A_103 : vector<26x4096xf32>
    %reshape3A_105 = vector.shape_cast %add3A_104 : vector<26x4096xf32> to vector<26x32x128xf32>
    %swap3A = arith.constant 0 : index
    %swap3A_106 = arith.constant 0 : index
    %swap3A_107 = arith.constant 0 : index
    %swap3A_108 = vector.load %arg5[%swap3A, %swap3A_106, %swap3A_107] : memref<26x32x128xf32, #tpu.memory_space<vmem>>, vector<26x32x128xf32>
    tpu.vector_store %arg5[%swap3A, %swap3A_106, %swap3A_107], %reshape3A_105 {strides = array<i32>} : memref<26x32x128xf32, #tpu.memory_space<vmem>>, vector<26x32x128xf32>,
    return
  }
  func.func @transform_0(%arg0: i32) -> (i32, i32, i32) {
    %c0_i32 = arith.constant 0 : i32
    %c0_i32_0 = arith.constant 0 : i32
    %c0_i32_1 = arith.constant 0 : i32
    return %c0_i32, %arg0, %c0_i32_0 : i32, i32, i32
  }
  func.func @transform_1(%arg0: i32) -> (i32, i32) {
    %c0_i32 = arith.constant 0 : i32
    %c0_i32_0 = arith.constant 0 : i32
    return %c0_i32, %arg0 : i32, i32
  }
  func.func @transform_2(%arg0: i32) -> (i32, i32) {
    %c0_i32 = arith.constant 0 : i32
    %c0_i32_0 = arith.constant 0 : i32
    %c0_i32_1 = arith.constant 0 : i32
    return %c0_i32, %c0_i32_0 : i32, i32
  }
  func.func @transform_3(%arg0: i32) -> (i32, i32) {
    %c0_i32 = arith.constant 0 : i32
    %c0_i32_0 = arith.constant 0 : i32
    %c0_i32_1 = arith.constant 0 : i32
    return %c0_i32, %c0_i32_0 : i32, i32
  }
  func.func @transform_4(%arg0: i32) -> (i32, i32, i32) {
    %c0_i32 = arith.constant 0 : i32
    %c0_i32_0 = arith.constant 0 : i32
    %c0_i32_1 = arith.constant 0 : i32
    return %c0_i32, %arg0, %c0_i32_0 : i32, i32, i32
  }
}

</mosaic_0001>

<sc_bundles>
// kernel: kernel.5.cloned.1.call-start
scs
__scs_entry_jumppad:
0x0: {  	(pc) =	sbr.rel $0x88, $3  }
0x1: {  	(tag) =	ssettag $0x0;
	lr =	simm.s32 $0x1  }
0x2: {  	[smem:$0x3F9C] =	sst lr;
	_ =	strace $0xD0000000  }
0x3: {  	_ = 	snop  }
0x4: {  	_ = 	snop  }
0x5: {  	_ = 	snop  }
0x6: {  	_ = 	snop  }
0x7: {  	_ = 	snop  }
__scs_overlays_trampoline_lowered:
0x8: {  	[smem:$0x3FAB] =	sst s0  }
0x9: {  	[smem:$0x3FAC] =	sst s1  }
0xa: {  	[smem:$0x3FAD] =	sst s2  }
0xb: {  	[smem:$0x3FAE] =	sst s3  }
0xc: {  	[smem:$0x3FAF] =	sst s4  }
0xd: {  	[smem:$0x3FB0] =	sst s5  }
0xe: {  	[smem:$0x3FB1] =	sst s6  }
0xf: {  	[smem:$0x3FB2] =	sst s7  }
0x10: {  	[smem:$0x3FB3] =	sst s8  }
0x11: {  	[smem:$0x3FB4] =	sst s9;
	s0 =	simm.s32 @!p0 $0x0  }
0x12: {  	s1 =	sld [smem:$0x3F9A];
	s0 =	simm.s32 @p0 $0x1  }
0x13: {  	[smem:$0x3FB5] =	sst s0;
	s0 =	simm.s32 @!p1 $0x0  }
0x14: {  	s2 =	sld [smem:$0x3F99];
	s0 =	simm.s32 @p1 $0x1  }
0x15: {  	[smem:$0x3FB6] =	sst s0;
	s0 =	simm.s32 @!p2 $0x0  }
0x16: {  	s3 =	sld [smem:$0x3FDB];
	s0 =	simm.s32 @p2 $0x1  }
0x17: {  	s4 =	simm.s32 $0x1BF5;
	[smem:$0x3FB8] =	sst s0  }
0x18: {  	s0 =	sld [smem:$0x3F9B];
	_ =	swait.ge [sflag:s4], $0x0  }
0x19: {  	s7 =	sld [smem:$0x3F9C]  }
0x1a: {  	s8 =	sadd.s32 $0xFFFFE003, lr  }
0x1b: {  	s9 =	sadd.s32 $0xFFFFFEF7, lr;
	s5 =	simm.s32 $0xFFFFFFFF;
	p2 =	slt.u32 s8, $0xFFFFF086  }
0x1c: {  	p1 =	slt.u32 s9, $0xF7A;
	s5 =	simm.s32 @!p2 $0x0  }
0x1d: {  	s5 =	simm.s32 @p1 $0x1;
	p0 =	seq.s32 s7, s2  }
0x1e: {  	s7 =	smul.u32 @!p0 $0xF7A, s2;
	p2 =	seq.s32 @!p0 s5, $0x0  }
0x1f: {  	s9 =	smul.u32 $0xF7A, s1;
	s8 =	simm.s32 @!p0 $0x1BF5;
	p2 =	por !p2, p0  }
0x20: {  	[sflag:s8] =	ssyncset.s32 @!p0 $0xFFFFF086;
	s6 =	sadd.s32 @!p0 s3, s7;
	s7 =	simm.s32 @!p0 $0x108  }
0x21: {  	s3 =	sadd.s32 s3, s9;
	s6 =	sadd.s32 @!p0 $0x88, s6;
	s7 =	simm.s32 @p2 $0x1082  }
0x22: {  	[simem:s7], [sflag:s8] =	dma.local @!p0 [hbm:s6], $0xF7A  }
0x23: {  	s9 =	sor.u32 $0xD0000000, s2;
	s6 =	simm.s32 $0x108;
	_ =	swait.ge @!p0 [sflag:s8], $0x0  }
0x24: {  	s3 =	sadd.s32 $0x88, s3;
	s6 =	simm.s32 @!p1 $0x1082;
	[sflag:s4] =	ssyncset.s32 $0xFFFFF086  }
0x25: {  	[simem:s6], [sflag:s4] =	dma.local [hbm:s3], $0xF7A  }
0x26: {  	[smem:$0x3F9C] =	sst s1;
	(tag) =	ssettag s2;
	_ =	strace s9  }
0x27: {  	s1 =	sld [smem:$0x3FAC]  }
0x28: {  	s2 =	sld [smem:$0x3FAD]  }
0x29: {  	s4 =	sld [smem:$0x3FAF]  }
0x2a: {  	p0 =	seq.s32 s5, $0x0;
	s5 =	sld [smem:$0x3FB0]  }
0x2b: {  	s6 =	sld [smem:$0x3FB1]  }
0x2c: {  	s7 =	sld [smem:$0x3FB2]  }
0x2d: {  	s3 =	simm.s32 $0x108;
	s8 =	sld [smem:$0x3FB3]  }
0x2e: {  	s3 =	simm.s32 @!p0 $0x1082;
	s9 =	sld [smem:$0x3FB4]  }
0x2f: {  	lr =	sadd.s32 s0, s3;
	s0 =	sld [smem:$0x3FAB]  }
0x30: {  	s3 =	sld [smem:$0x3FAE]  }
0x31: {  	[smem:$0x3FB7] =	sst s10  }
0x32: {  	s10 =	sld [smem:$0x3FB5];
	_ =	sdelay $0x3  }
0x33: {  	p0 =	seq.s32 s10, $0x1;
	s10 =	sld [smem:$0x3FB7];
	_ =	sdelay $0x3  }
0x34: {  	[smem:$0x3FB7] =	sst s10  }
0x35: {  	s10 =	sld [smem:$0x3FB6];
	_ =	sdelay $0x3  }
0x36: {  	p1 =	seq.s32 s10, $0x1;
	s10 =	sld [smem:$0x3FB7];
	_ =	sdelay $0x3  }
0x37: {  	[smem:$0x3FB7] =	sst s10  }
0x38: {  	s10 =	sld [smem:$0x3FB8]  }
0x39: {  	_ = 	snop;
	(pc) =	sbr.ind lr, $3  }
0x3a: {  	_ = 	snop  }
0x3b: {  	_ = 	snop  }
0x3c: {  	p2 =	seq.s32 s10, $0x1;
	s10 =	sld [smem:$0x3FB7]  }
0x3d: {  	_ =	shalt  }
0x3e: {  	_ =	shalt  }
0x3f: {  	_ =	shalt  }
0x40: {  	_ =	shalt  }
0x41: {  	_ =	shalt  }
0x42: {  	_ =	shalt  }
0x43: {  	_ =	shalt  }
0x44: {  	_ =	shalt  }
0x45: {  	_ =	shalt  }
0x46: {  	_ =	shalt  }
0x47: {  	_ =	shalt  }
0x48: {  	_ =	shalt  }
0x49: {  	_ =	shalt  }
0x4a: {  	_ =	shalt  }
0x4b: {  	_ =	shalt  }
0x4c: {  	_ =	shalt  }
0x4d: {  	_ =	shalt  }
0x4e: {  	_ =	shalt  }
0x4f: {  	_ =	shalt  }
0x50: {  	_ =	shalt  }
0x51: {  	_ =	shalt  }
0x52: {  	_ =	shalt  }
0x53: {  	_ =	shalt  }
0x54: {  	_ =	shalt  }
0x55: {  	_ =	shalt  }
0x56: {  	_ =	shalt  }
0x57: {  	_ =	shalt  }
0x58: {  	_ =	shalt  }
0x59: {  	_ =	shalt  }
0x5a: {  	_ =	shalt  }
0x5b: {  	_ =	shalt  }
0x5c: {  	_ =	shalt  }
0x5d: {  	_ =	shalt  }
0x5e: {  	_ =	shalt  }
0x5f: {  	_ =	shalt  }
0x60: {  	_ =	shalt  }
0x61: {  	_ =	shalt  }
0x62: {  	_ =	shalt  }
0x63: {  	_ =	shalt  }
0x64: {  	_ =	shalt  }
0x65: {  	_ =	shalt  }
0x66: {  	_ =	shalt  }
0x67: {  	_ =	shalt  }
0x68: {  	_ =	shalt  }
0x69: {  	_ =	shalt  }
0x6a: {  	_ =	shalt  }
0x6b: {  	_ =	shalt  }
0x6c: {  	_ =	shalt  }
0x6d: {  	_ =	shalt  }
0x6e: {  	_ =	shalt  }
0x6f: {  	_ =	shalt  }
0x70: {  	_ =	shalt  }
0x71: {  	_ =	shalt  }
0x72: {  	_ =	shalt  }
0x73: {  	_ =	shalt  }
0x74: {  	_ =	shalt  }
0x75: {  	_ =	shalt  }
0x76: {  	_ =	shalt  }
0x77: {  	_ =	shalt  }
0x78: {  	_ =	shalt  }
0x79: {  	_ =	shalt  }
0x7a: {  	_ =	shalt  }
0x7b: {  	_ =	shalt  }
0x7c: {  	_ =	shalt  }
0x7d: {  	_ =	shalt  }
0x7e: {  	_ =	shalt  }
0x7f: {  	_ =	shalt  }
0x80: {  	_ =	shalt  }
0x81: {  	_ =	shalt  }
0x82: {  	_ =	shalt  }
0x83: {  	_ =	shalt  }
0x84: {  	_ =	shalt  }
0x85: {  	_ =	shalt  }
0x86: {  	_ =	shalt  }
0x87: {  	_ =	shalt  }
.Lfunc_end0:
.L_simem_size_0:
called_computation_lowered:
.L_overlay_start_0:
0x88: {  	s2 =	sld [smem:$0x3FD9]  }
0x89: {  	s3 =	sld [smem:$0x3FFE];
	_ =	sdelay $0x1  }
0x8a: {  	s1 =	srdreg.scid  }
0x8b: {  	s0 =	sand.u32 $0x1, s1  }
0x8c: {  	s16 =	sshll.u32 s0, $0xA;
	s2 =	sadd.s32 s3, s2  }
0x8d: {  	s2 =	sadd.s32 s2, s16  }
0x8e: {  	[smem:$0x3FC3] =	sst s2  }
0x8f: {  	_ = 	snop  }
0x90: {  	(tm) =	ssettm $0x1  }
0x91: {  	s17 =	sld [smem:$0x3FFB];
	_ =	sdelay $0x3  }
0x92: {  	_ =	strace s17  }
0x93: {  	s2 =	sld [smem:$0x3FFC];
	_ =	sdelay $0x3  }
0x94: {  	_ =	strace s2  }
0x95: {  	s2 =	sld [smem:$0x3FFD];
	_ =	sdelay $0x3  }
0x96: {  	_ =	strace s2  }
0x97: {  	_ =	strace $0x8FFFFFFF  }
0x98: {  	s18 =	sld [smem:$0x3FDB];
	_ =	sdelay $0x1  }
0x99: {  	s19 =	simm.s32 $_scs_section_size  }
0x9a: {  	s4 =	simm.s32 $_size__tile_overlayer_lowered;
	s5 =	simm.s32 $_tile_overlayer_lowered  }
0x9b: {  	s22 =	simm.s32 $0x1BFF;
	s21 =	sshll.u32 s5, $0x1;
	s2 =	sadd.s32 s19, s18  }
0x9c: {  	s6 =	simm.s32 $0x0;
	s20 =	sshll.u32 s4, $0x1;
	s4 =	sadd.s32 s21, s2  }
0x9d: {  	[timem:s6], [sflag:s22] =	dma.local [hbm:s4], s20  }
0x9e: {  	_ =	swait.ge [sflag:s22], s20  }
0x9f: {  	s3 =	ssub.s32 $0x0, s20;
	[sflag:s22] =	ssyncset.done $0x0  }
0xa0: {  	[sflag:s22] =	ssyncadd.s32 s3;
	_ =	sdelay $0x1  }
0xa1: {  	s23 =	simm.s32 $0x1B8B  }
0xa2: {  	_ =	swait.ge [sflag:s23], $0x1  }
0xa3: {  	[sflag:s23] =	ssyncset.done $0x0  }
0xa4: {  	s25 =	simm.s32 $0x1B8E;
	s24 =	sld [smem:$0x3FFE];
	[sflag:s23] =	ssyncadd.s32 $0xFFFFFFFF  }
0xa5: {  	s26 =	simm.s32 $execute0_lowered;
	[smem:$0x3FD2] =	sst s25  }
0xa6: {  	s4 =	sshll.u32 s26, $0x1;
	_ =	strace $0x80000046;
	[dreg:$0x1] =	wrdreg $0xFFFFFFFF  }
0xa7: {  	s28 =	simm.s32 $_size_execute0_lowered;
	s2 =	sadd.s32 s2, s4;
	[dreg:$0x0] =	wrdreg $0x0  }
0xa8: {  	s4 =	sshll.u32 s28, $0x1;
	[dreg:$0x2] =	wrdreg s2  }
0xa9: {  	[dreg:$0x3] =	wrdreg s4  }
0xaa: {  	[dreg:$0x4] =	wrdreg $0xC0  }
0xab: {  	_ =	task [dreg:s6], $0x5FFFF  }
0xac: {  	[dreg:$0x1] =	wrdreg $0xFFFFFFFF  }
0xad: {  	[dreg:$0x0] =	wrdreg $0x60  }
0xae: {  	[dreg:$0x2] =	wrdreg s24  }
0xaf: {  	[dreg:$0x3] =	wrdreg $0x9  }
0xb0: {  	_ =	task.clear_ibuf [dreg:s6], $0x4FFFF;
	_ =	strace $0x90000046  }
0xb1: {  	s29 =	simm.s32 $0x9;
	_ =	strace $0x80000048  }
0xb2: {  	_ =	swait.ge [sflag:s29], $0x1  }
0xb3: {  	[sflag:s29] =	ssyncadd.s32 $0xFFFFFFFF  }
0xb4: {  	_ =	strace $0x90000048  }
0xb5: {  	_ =	sfence  }
0xb6: {  	s30 =	sld [smem:$0x0];
	_ =	sdelay $0x2  }
0xb7: {  	s31 =	sshll.u32 s1, $0xD;
	s1 =	sshrl.u32 s1, $0x2  }
0xb8: {  	s3 =	sand.u32 $0x4000, s31;
	s1 =	sadd.s32 s1, s30  }
0xb9: {  	s0 =	sor.u32 s3, s0;
	s1 =	sshll.u32 s1, $0x11  }
0xba: {  	s0 =	sor.u32 s1, s0  }
0xbb: {  	s0 =	sadd.s32 $0x8F2B, s0  }
0xbc: {  	[sflag:s0] =	ssyncadd.remote.s32 $0x1  }
0xbd: {  	_ =	sfence.sel $0xFFFF  }
0xbe: {  	[dreg:$0x0] =	wrdreg $0xFFFFFFFF;
	(pc) =	sbr.abs _section_cstart, $3  }
0xbf: {  	[dreg:$0x1] =	wrdreg $0xFFFFFFFF  }
0xc0: {  	_ =	task.clear_ibuf [dreg:s6], $0x2FFFF;
	_ =	strace $0x9FFFFFFF  }
0xc1: {  	(tm) =	ssettm $0x7FFFFFFF  }
tec
execute0_lowered:
.L_overlay_start_1:
0x0: {  	(tag) =	ssettag $0x1  }
0x1: {  	s0 =	rddreg [dreg:$0x0]  }
0x2: {  	s1 =	srdreg.scid;
	s2 =	stileid.u32;
	s19 =	simm.s32 $0x0  }
0x3: {  	s1 =	sand.u32 $0x1, s1;
	[smem:$0x7FF] =	sst s19;
	s24 =	sadd.s32 $0x5800, s0  }
0x4: {  	s25 =	sadd.s32 $0x5A00, s0;
	_ =	strace $0x80000047;
	[dreg:$0x2] =	wrdreg s24  }
0x5: {  	s3 =	sshll.u32 s2, $0xA;
	s26 =	sadd.s32 $0x5C00, s0;
	[dreg:$0x3] =	wrdreg s25  }
0x6: {  	s28 =	sadd.s32 $0xF47C00, s0;
	s4 =	sshll.u32 s1, $0x9;
	[dreg:$0x4] =	wrdreg s26  }
0x7: {  	v0 =	vimm.s32 $0xECA86420;
	v2 =	vlaneseq.u32;
	vm0 =	vcmask $0xB08;
	s1 =	ssub.s32 $0x2, s1;
	[dreg:$0x5] =	wrdreg s28;
	s3 =	sor.u32 s4, s3  }
.Ltmp0:
0x8: {  	vm1 =	vcmask $0x1310;
	v1 =	vunpack.c.l.s4.s8 v0;
	v0 =	vmul.u32 $0x20, v2;
	s8 =	sadd.s32 s3, s0;
	s0 =	sadd.s32 $0x5E00, s0;
	(pc) =	sbr.rel .LBB2_1-.Ltmp0, $4  }
0x9: {  	vm2 =	vcmask $0x1B18;
	vm8 =	vmmov $0xff;
	vm14 =	vcmask $0x2724;
	s7 =	sshrl.u32 s1, $0x1;
	s31 =	sor.u32 $0x1FFF4000, s3;
	[dreg:$0x6] =	wrdreg s0  }
0xa: {  	v2 =	vmul.u32 $0x2, v2;
	v1 =	vunpack.c.0.s8.s32 v1;
	v3 =	vor.u32 $0x200, v0;
	s1 =	ssub.s32 s1, s7;
	s29 =	sadd.s32 $0x1800, s8;
	[dreg:$0x9] =	wrdreg s31  }
0xb: {  	v4 =	vor.u32 $0x400, v0;
	v5 =	vor.u32 $0x600, v0;
	v6 =	vor.u32 $0x800, v0;
	s30 =	smax.u32 s1, $0x1;
	[dreg:$0x7] =	wrdreg s29  }
0xc: {  	s2 =	simm.s32 $0x0;
	v7 =	vor.u32 $0xA00, v0;
	v8 =	vor.u32 $0xC00, v0;
	v9 =	vor.u32 $0xE00, v0;
	[dreg:$0x8] =	wrdreg s30  }
.LBB2_8:
0xd: {  	s1 =	simm.s32 $0x2  }
0xe: {  	_ =	swait.ge [sflag:s1], $0x1000  }
0xf: {  	[sflag:s1] =	ssyncset.done $0x0  }
0x10: {  	[sflag:s1] =	ssyncadd.s32 $0xFFFFF000  }
0x11: {  	_ =	swait.ge [sflag:s1], $0x1000  }
0x12: {  	[sflag:s1] =	ssyncset.done $0x0  }
0x13: {  	[sflag:s1] =	ssyncadd.s32 $0xFFFFF000  }
0x14: {  	_ =	swait.ge [sflag:s1], $0x1000  }
0x15: {  	[sflag:s1] =	ssyncset.done $0x0  }
0x16: {  	[sflag:s1] =	ssyncadd.s32 $0xFFFFF000  }
0x17: {  	_ =	swait.ge [sflag:s1], $0x1000  }
0x18: {  	[sflag:s1] =	ssyncset.done $0x0  }
0x19: {  	[sflag:s1] =	ssyncadd.s32 $0xFFFFF000  }
0x1a: {  	_ =	swait.ge [sflag:s1], $0x1000  }
0x1b: {  	[sflag:s1] =	ssyncset.done $0x0  }
0x1c: {  	[sflag:s1] =	ssyncadd.s32 $0xFFFFF000  }
0x1d: {  	_ =	swait.ge [sflag:s1], $0x1000  }
0x1e: {  	[sflag:s1] =	ssyncset.done $0x0  }
0x1f: {  	[sflag:s1] =	ssyncadd.s32 $0xFFFFF000  }
0x20: {  	_ =	swait.ge [sflag:s1], $0x1000  }
0x21: {  	[sflag:s1] =	ssyncset.done $0x0  }
0x22: {  	[sflag:s1] =	ssyncadd.s32 $0xFFFFF000  }
0x23: {  	_ =	swait.ge [sflag:s1], $0x1000  }
0x24: {  	s2 =	rddreg [dreg:$0xa]  }
0x25: {  	s0 =	rddreg [dreg:$0x8];
	s2 =	sadd.s32 $0x1, s2  }
0x26: {  	p0 =	sne.s32 s2, s0  }
.Ltmp1:
0x27: {  	_ = 	snop;
	(pc) =	sbr.rel @!p0 .LBB2_9-.Ltmp1, $3  }
0x28: {  	_ =	sdelay $0x1  }
0x29: {  	[sflag:s1] =	ssyncset.done $0x0  }
0x2a: {  	[sflag:s1] =	ssyncadd.s32 $0xFFFFF000  }
.LBB2_1:
0x2b: {  	[dreg:$0xa] =	wrdreg s2  }
0x2c: {  	s0 =	rddreg [dreg:$0x7];
	s1 =	simm.s32 $0x3  }
0x2d: {  	[tilespmem:s19], [sflag:$0x3] =	stream.linear.gather [hbm4b:s0+s19], $0x1000, $0x38;
	[tilespmem:$0x97D8] =	vst v63  }
0x2e: {  	_ =	swait.ge [sflag:s1], $0x1000  }
0x2f: {  	[sflag:s1] =	ssyncset.done $0x0  }
0x30: {  	s26 =	simm.s32 $0x1000;
	s25 =	rddreg [dreg:$0x2];
	[sflag:s1] =	ssyncadd.s32 $0xFFFFF000  }
0x31: {  	[tilespmem:s26], [sflag:$0x3] =	stream.linear.gather [hbm4b:s25+s19], $0x148, $0x38;
	[tilespmem:$0x97D8] =	vst v63  }
0x32: {  	_ =	swait.ge [sflag:s1], $0x148  }
0x33: {  	[sflag:s1] =	ssyncset.done $0x0  }
0x34: {  	s29 =	simm.s32 $0x1148;
	s28 =	rddreg [dreg:$0x3];
	[sflag:s1] =	ssyncadd.s32 $0xFFFFFEB8  }
0x35: {  	[tilespmem:s29], [sflag:$0x3] =	stream.linear.gather [hbm4b:s28+s19], $0x148, $0x38;
	[tilespmem:$0x97D8] =	vst v63  }
0x36: {  	_ =	swait.ge [sflag:s1], $0x148  }
0x37: {  	s31 =	simm.s32 $0x1290;
	[sflag:s1] =	ssyncset.done $0x0  }
.Ltmp2:
0x38: {  	s30 =	rddreg [dreg:$0x4];
	[sflag:s1] =	ssyncadd.s32 $0xFFFFFEB8;
	(pc) =	sbr.rel .LBB2_2-.Ltmp2, $4  }
0x39: {  	[tilespmem:s31], [sflag:$0x3] =	stream.linear.gather [hbm4b:s30+s19], $0x148, $0x38;
	[tilespmem:$0x97D8] =	vst v63  }
0x3a: {  	_ =	swait.ge [sflag:s1], $0x148  }
0x3b: {  	[sflag:s1] =	ssyncset.done $0x0  }
0x3c: {  	s4 =	simm.s32 $0x0;
	s5 =	simm.s32 $0x0;
	[sflag:s1] =	ssyncadd.s32 $0xFFFFFEB8  }
.LBB2_4:
0x3d: {  	s2 =	simm.s32 $0x2  }
0x3e: {  	_ =	swait.ge [sflag:s2], $0x1000  }
0x3f: {  	s3 =	simm.s32 $0x80;
	s19 =	simm.s32 $0x0;
	s1 =	rddreg [dreg:$0xd]  }
0x40: {  	[sflag:s2] =	ssyncset.done $0x0;
	s31 =	rddreg [dreg:$0x5];
	s1 =	sshll.u32 s1, $0xC  }
0x41: {  	s4 =	rddreg [dreg:$0xb];
	[sflag:s2] =	ssyncadd.s32 $0xFFFFF000;
	s1 =	sadd.s32 $0x17D8, s1  }
0x42: {  	[tilespmem:s1], [sflag:$0x1] =	stream.indirect.gather [hbm4b:s31+s3], $0x20, s0, s3, $0xb8;
	[tilespmem:$0x97D8] =	vst v63  }
.LBB2_6:
0x43: {  	s2 =	simm.s32 $0x1  }
0x44: {  	_ =	swait.ge [sflag:s2], $0x1000  }
0x45: {  	s0 =	sadd.s32 $0x14000, s4;
	s1 =	rddreg [dreg:$0x9]  }
0x46: {  	s0 =	sand.u32 $0x1C000, s0;
	[sflag:s2] =	ssyncset.done $0x0;
	s1 =	sadd.s32 s4, s1  }
0x47: {  	s0 =	sshrl.u32 s0, $0x2;
	s31 =	rddreg [dreg:$0x6];
	s1 =	sand.u32 $0x1FFFFE00, s1  }
0x48: {  	[sflag:s2] =	ssyncadd.s32 $0xFFFFF000;
	s0 =	sadd.s32 $0x17D8, s0;
	s1 =	sadd.s32 s31, s1  }
0x49: {  	[hbm4b:s1+s19] =	stream.linear.scatter [tilespmem:s0], [sflag:$0x2], $0x1000, $0x38;
	[tilespmem:$0x97D8] =	vst v63  }
.LBB2_7:
0x4a: {  	s5 =	sadd.s32 $0x1, s5  }
0x4b: {  	p0 =	sne.s32 s5, $0x148  }
.Ltmp3:
0x4c: {  	_ = 	snop;
	(pc) =	sbr.rel @!p0 .LBB2_8-.Ltmp3, $2  }
0x4d: {  	_ =	sdelay $0x2  }
0x4e: {  	s4 =	sadd.s32 $0x4000, s4  }
.LBB2_2:
0x4f: {  	p0 =	sgt.u32 s5, $0x144  }
.Ltmp4:
0x50: {  	_ = 	snop;
	(pc) =	sbr.rel @p0 .LBB2_6-.Ltmp4, $1  }
0x51: {  	_ =	sdelay $0x3  }
0x52: {  	v10 =	vmov s5;
	_ =	sdelay $0x3  }
0x53: {  	s0 =	simm.s32 $0x1000  }
0x54: {  	s6 =	simm.s32 $0x1148;
	v12 =	vld.idx.msk [tilespmem:v10+s0+$0x0], $0xffff  }
0x55: {  	v11 =	vld.idx.msk [tilespmem:v10+s6+$0x0], $0xffff;
	_ =	sdelay $0x3  }
0x56: {  	v13 =	vadd.s32 v0, v12  }
0x57: {  	v14 =	vadd.s32 v0, v11;
	_ =	sdelay $0x3  }
0x58: {  	v13 =	vld.idx.msk [tilespmem:v13+s19+$0x0], $0xffff  }
0x59: {  	s7 =	simm.s32 $0x1290;
	v14 =	vld.idx.msk [tilespmem:v14+s19+$0x0], $0xffff  }
0x5a: {  	v10 =	vld.idx.msk [tilespmem:v10+s7+$0x0], $0xffff;
	_ =	sdelay $0x2  }
0x5b: {  	v13 =	vmul.u32 $0x9E37, v13  }
0x5c: {  	v14 =	vmul.u32 $0x1E40, v14  }
0x5d: {  	v13 =	vadd.s32 v10, v13  }
0x5e: {  	v13 =	vadd.s32 v14, v13  }
0x5f: {  	(v2sf) =	vpush v13, $0xD;
	_ =	sdelay $0x1  }
0x60: {  	(v2sf) =	vpush v13, $0xC;
	_ =	sdelay $0x1  }
0x61: {  	(v2sf) =	vpush v13, $0xE;
	_ =	sdelay $0x1  }
0x62: {  	(v2sf) =	vpush v13, $0xF;
	_ =	sdelay $0x1  }
0x63: {  	(v2sf) =	vpush v13, $0x9;
	_ =	sdelay $0x1  }
0x64: {  	(v2sf) =	vpush v13, $0x8;
	_ =	sdelay $0x1  }
0x65: {  	(v2sf) =	vpush v13, $0xA;
	_ =	sdelay $0x1  }
0x66: {  	(v2sf) =	vpush v13, $0xB  }
0x67: {  	s8 =	spop (v2sf)  }
0x68: {  	(v2sf) =	vpush v13, $0x0;
	s1 =	smulhi.u32 $0x431BDE83, s8;
	s0 =	sshra.s32 s8, $0x1F  }
0x69: {  	s3 =	spop (v2sf);
	(v2sf) =	vpush v13, $0x1;
	s0 =	smul.u32 $0x431BDE83, s0  }
0x6a: {  	[dreg:$0xb] =	wrdreg s4;
	s22 =	smulhi.u32 $0x431BDE83, s3;
	s3 =	sshra.s32 s3, $0x1F;
	(v2sf) =	vpush v13, $0x2  }
0x6b: {  	s21 =	spop (v2sf);
	s3 =	smul.u32 $0x431BDE83, s3;
	(v2sf) =	vpush v13, $0x3  }
0x6c: {  	[dreg:$0xc] =	wrdreg s5;
	s23 =	smulhi.u32 $0x431BDE83, s21;
	s21 =	sshra.s32 s21, $0x1F;
	(v2sf) =	vpush v13, $0x4  }
0x6d: {  	s24 =	spop (v2sf);
	s25 =	smul.u32 $0x431BDE83, s21;
	(v2sf) =	vpush v13, $0x5  }
0x6e: {  	s21 =	sadd.s32 s0, s1;
	s26 =	smulhi.u32 $0x431BDE83, s24;
	s9 =	sshra.s32 s24, $0x1F;
	(v2sf) =	vpush v13, $0x6  }
0x6f: {  	s10 =	spop (v2sf);
	s0 =	sshrl.u32 s21, $0x1F;
	s28 =	smul.u32 $0x431BDE83, s9;
	(v2sf) =	vpush v13, $0x7  }
0x70: {  	s24 =	sadd.s32 s3, s22;
	s29 =	smulhi.u32 $0x431BDE83, s10;
	s1 =	sshra.s32 s10, $0x1F  }
0x71: {  	s11 =	spop (v2sf);
	s4 =	sshrl.u32 s24, $0x1F;
	s30 =	smul.u32 $0x431BDE83, s1  }
0x72: {  	s22 =	sadd.s32 s25, s23;
	s12 =	smulhi.u32 $0x431BDE83, s11;
	s13 =	sshra.s32 s11, $0x1F  }
0x73: {  	s14 =	spop (v2sf);
	s1 =	sshrl.u32 s22, $0x1F;
	s8 =	smul.u32 $0x431BDE83, s13  }
0x74: {  	s23 =	sadd.s32 s28, s26;
	s26 =	smulhi.u32 $0x431BDE83, s14;
	s15 =	sshra.s32 s14, $0x1F  }
0x75: {  	s31 =	spop (v2sf);
	s3 =	sshrl.u32 s23, $0x1F;
	s28 =	smul.u32 $0x431BDE83, s15  }
0x76: {  	s25 =	sadd.s32 s30, s29;
	s9 =	smulhi.u32 $0x431BDE83, s31;
	s16 =	sshra.s32 s31, $0x1F  }
0x77: {  	s31 =	sshrl.u32 s25, $0x1F;
	s11 =	smul.u32 $0x431BDE83, s16;
	s17 =	spop (v2sf)  }
0x78: {  	s18 =	smulhi.u32 $0x431BDE83, s17;
	s20 =	sshra.s32 s17, $0x1F;
	s16 =	spop (v2sf)  }
0x79: {  	s29 =	sadd.s32 s8, s12;
	s2 =	smul.u32 $0x431BDE83, s20;
	s10 =	spop (v2sf)  }
0x7a: {  	s12 =	smulhi.u32 $0x431BDE83, s16;
	s16 =	sshra.s32 s16, $0x1F;
	s13 =	spop (v2sf)  }
0x7b: {  	s14 =	sshrl.u32 s29, $0x1F;
	s16 =	smul.u32 $0x431BDE83, s16;
	s6 =	spop (v2sf)  }
0x7c: {  	s15 =	smulhi.u32 $0x431BDE83, s10;
	s8 =	sshra.s32 s10, $0x1F;
	s7 =	spop (v2sf)  }
0x7d: {  	s30 =	sadd.s32 s28, s26;
	s8 =	smul.u32 $0x431BDE83, s8;
	s10 =	spop (v2sf)  }
0x7e: {  	s26 =	sadd.s32 s11, s9;
	s17 =	smulhi.u32 $0x431BDE83, s13;
	s20 =	spop (v2sf)  }
0x7f: {  	s5 =	sadd.s32 s2, s18;
	s28 =	smulhi.u32 $0x431BDE83, s20;
	s11 =	sshra.s32 s20, $0x1F  }
0x80: {  	s13 =	sshra.s32 s13, $0x1F;
	s12 =	sadd.s32 s16, s12;
	s11 =	smul.u32 $0x431BDE83, s11  }
0x81: {  	vm3 =	vcmask $0x300;
	vm10 =	vcmask $0x704;
	s16 =	sshrl.u32 s30, $0x1F;
	s13 =	smul.u32 $0x431BDE83, s13;
	s2 =	sshrl.u32 s5, $0x1F  }
0x82: {  	vm11 =	vcmask $0xF0C;
	vm12 =	vcmask $0x1714;
	v15 =	vmov s4;
	s8 =	sadd.s32 s8, s15;
	s15 =	sshrl.u32 s26, $0x1F;
	s28 =	sadd.s32 s11, s28  }
0x83: {  	vm6 =	vcmask $0x2B28;
	v15 =	vsel vm0, s0, v15;
	v17 =	vmov s14;
	s0 =	smulhi.u32 $0x431BDE83, s7;
	s7 =	sshra.s32 s7, $0x1F;
	s18 =	sshra.s32 s28, $0x1F  }
0x84: {  	v17 =	vsel vm0, s31, v17;
	v16 =	vmov s2;
	s2 =	sshra.s32 s12, $0x12;
	s9 =	sadd.s32 s13, s17;
	s17 =	sshra.s32 s5, $0x12;
	v47 =	vmov s18  }
0x85: {  	vm13 =	vcmask $0x1F1C;
	v17 =	vsel vm1, s16, v17;
	s16 =	sshra.s32 s24, $0x12;
	s13 =	smulhi.u32 $0x431BDE83, s6;
	s5 =	sshra.s32 s5, $0x1F;
	v14 =	vsel vm3, s17, v47  }
0x86: {  	vm15 =	vcmask $0x2F2C;
	vm4 =	vcmask $0x3B38;
	s6 =	sshra.s32 s6, $0x1F;
	s7 =	smul.u32 $0x431BDE83, s7;
	s20 =	sshrl.u32 s12, $0x1F;
	v14 =	vsel vm10, s5, v14  }
0x87: {  	vm7 =	vcmask $0x3734;
	v16 =	vnsel vm3, $0x0, v16;
	s4 =	smul.u32 $0x431BDE83, s6;
	s6 =	sshrl.u32 s8, $0x1F;
	s17 =	sshra.s32 s12, $0x1F;
	v14 =	vsel vm0, s2, v14  }
0x88: {  	v15 =	vsel vm1, s1, v15;
	v16 =	vsel vm0, s20, v16;
	s20 =	sshra.s32 s8, $0x12;
	s8 =	sshra.s32 s8, $0x1F;
	s0 =	sadd.s32 s7, s0;
	v14 =	vsel vm11, s17, v14  }
0x89: {  	v15 =	vsel vm2, s3, v15;
	v16 =	vsel vm1, s6, v16;
	s4 =	sadd.s32 s4, s13;
	s13 =	sshra.s32 s9, $0x1F;
	s11 =	sshrl.u32 s9, $0x1F;
	v14 =	vsel vm1, s20, v14  }
0x8a: {  	v17 =	vsel vm2, s15, v17;
	v16 =	vsel vm2, s11, v16;
	s11 =	sshra.s32 s9, $0x12;
	s18 =	smulhi.u32 $0x431BDE83, s10;
	s10 =	sshra.s32 s10, $0x1F;
	v14 =	vsel vm12, s8, v14  }
0x8b: {  	v48 =	vmov s16;
	s15 =	sshra.s32 s4, $0x12;
	s2 =	smul.u32 $0x431BDE83, s10;
	s10 =	sshrl.u32 s4, $0x1F;
	vm11 =	vcmask $0x2320;
	v14 =	vsel vm2, s11, v14  }
0x8c: {  	v15 =	vcombine.low v17, v15;
	s12 =	sshrl.u32 s0, $0x1F;
	s4 =	sshra.s32 s4, $0x1F;
	s17 =	sshra.s32 s29, $0x12;
	v16 =	vsel vm11, s10, v16;
	v14 =	vsel vm13, s13, v14  }
0x8d: {  	s3 =	sadd.s32 s2, s18;
	s18 =	sshra.s32 s21, $0x12;
	s20 =	sshra.s32 s25, $0x12;
	v18 =	vmov s17;
	v16 =	vsel vm6, s12, v16;
	v14 =	vsel vm11, s15, v14  }
0x8e: {  	s22 =	sshra.s32 s22, $0x12;
	s24 =	sshra.s32 s30, $0x12;
	s21 =	sshra.s32 s0, $0x12;
	v17 =	vsel vm0, s18, v48;
	v18 =	vsel vm0, s20, v18;
	v14 =	vsel vm14, s4, v14  }
0x8f: {  	s0 =	sshra.s32 s0, $0x1F;
	s25 =	sshra.s32 s23, $0x12;
	v17 =	vsel vm1, s22, v17;
	v18 =	vsel vm1, s24, v18;
	v14 =	vsel vm6, s21, v14  }
0x90: {  	s26 =	sshra.s32 s26, $0x12;
	s14 =	sshrl.u32 s3, $0x1F;
	s29 =	sshra.s32 s3, $0x12;
	vm13 =	vcmask $0x3330;
	v17 =	vsel vm2, s25, v17;
	v14 =	vsel vm15, s0, v14  }
0x91: {  	s30 =	sshrl.u32 s28, $0x1F;
	s31 =	sshra.s32 s3, $0x1F;
	v18 =	vsel vm2, s26, v18;
	v16 =	vsel vm13, s14, v16;
	v14 =	vsel vm13, s29, v14  }
0x92: {  	s1 =	sshra.s32 s28, $0x12;
	v17 =	vcombine.low v18, v17;
	v16 =	vsel vm4, s30, v16;
	v14 =	vsel vm7, s31, v14  }
0x93: {  	v15 =	vperm.xlane v15, v1;
	v16 =	vperm.xlane v16, v2;
	v14 =	vsel vm4, s1, v14  }
0x94: {  	v17 =	vperm.xlane v17, v1;
	v14 =	vperm.xlane v14, v2;
	_ =	sdelay $0x1  }
0x95: {  	v15 =	vsel vm8, v16, v15;
	v14 =	vsel vm8, v14, v17  }
0x96: {  	v14 =	vadd.s32 v15, v14  }
0x97: {  	v14 =	vmul.u32 $0xF4240, v14  }
0x98: {  	v49 =	vadd.s32 v3, v12  }
0x99: {  	v50 =	vadd.s32 v3, v11;
	s2 =	rddreg [dreg:$0xc];
	v13 =	vsub.s32 v13, v14  }
0x9a: {  	s0 =	sand.u32 $0x7, s2;
	vm9 =	vlt.s32 v13, $0x0;
	v51 =	vadd.s32 $0xF4240, v13  }
0x9b: {  	s22 =	sshll.u32 s0, $0x7;
	v13 =	vsel vm9, v51, v13  }
0x9c: {  	[tilespmem:s22+$0x13D8] =	vst v13  }
0x9d: {  	v13 =	vld.idx.msk [tilespmem:v49+s19+$0x0], $0xffff  }
0x9e: {  	v14 =	vld.idx.msk [tilespmem:v50+s19+$0x0], $0xffff;
	_ =	sdelay $0x3  }
0x9f: {  	v13 =	vmul.u32 $0x9E37, v13  }
0xa0: {  	v14 =	vmul.u32 $0x1E40, v14  }
0xa1: {  	v13 =	vadd.s32 v10, v13  }
0xa2: {  	v13 =	vadd.s32 v14, v13  }
0xa3: {  	(v2sf) =	vpush v13, $0xD;
	_ =	sdelay $0x1  }
0xa4: {  	(v2sf) =	vpush v13, $0xC;
	_ =	sdelay $0x1  }
0xa5: {  	(v2sf) =	vpush v13, $0xE;
	_ =	sdelay $0x1  }
0xa6: {  	(v2sf) =	vpush v13, $0xF;
	_ =	sdelay $0x1  }
0xa7: {  	(v2sf) =	vpush v13, $0x9;
	_ =	sdelay $0x1  }
0xa8: {  	(v2sf) =	vpush v13, $0x8;
	_ =	sdelay $0x1  }
0xa9: {  	(v2sf) =	vpush v13, $0xA;
	_ =	sdelay $0x1  }
0xaa: {  	(v2sf) =	vpush v13, $0xB  }
0xab: {  	s3 =	spop (v2sf)  }
0xac: {  	[dreg:$0xd] =	wrdreg s0;
	(v2sf) =	vpush v13, $0x0;
	s4 =	smulhi.u32 $0x431BDE83, s3;
	s0 =	sshra.s32 s3, $0x1F  }
0xad: {  	s5 =	spop (v2sf);
	s0 =	smul.u32 $0x431BDE83, s0  }
0xae: {  	(v2sf) =	vpush v13, $0x1;
	s6 =	smulhi.u32 $0x431BDE83, s5;
	s3 =	sshra.s32 s5, $0x1F  }
0xaf: {  	(v2sf) =	vpush v13, $0x2;
	s7 =	spop (v2sf);
	s3 =	smul.u32 $0x431BDE83, s3  }
0xb0: {  	(v2sf) =	vpush v13, $0x3;
	s8 =	smulhi.u32 $0x431BDE83, s7;
	s5 =	sshra.s32 s7, $0x1F  }
0xb1: {  	(v2sf) =	vpush v13, $0x4;
	s9 =	spop (v2sf);
	s5 =	smul.u32 $0x431BDE83, s5  }
0xb2: {  	(v2sf) =	vpush v13, $0x5;
	s10 =	smulhi.u32 $0x431BDE83, s9;
	s7 =	sshra.s32 s9, $0x1F  }
0xb3: {  	(v2sf) =	vpush v13, $0x6;
	s11 =	spop (v2sf);
	s7 =	smul.u32 $0x431BDE83, s7  }
0xb4: {  	(v2sf) =	vpush v13, $0x7;
	s12 =	smulhi.u32 $0x431BDE83, s11;
	s9 =	sshra.s32 s11, $0x1F  }
0xb5: {  	s23 =	sadd.s32 s0, s4;
	s14 =	spop (v2sf);
	s13 =	smul.u32 $0x431BDE83, s9  }
0xb6: {  	s1 =	sshrl.u32 s23, $0x1F;
	s15 =	smulhi.u32 $0x431BDE83, s14;
	s9 =	sshra.s32 s14, $0x1F  }
0xb7: {  	s26 =	sadd.s32 s3, s6;
	s17 =	spop (v2sf);
	s16 =	smul.u32 $0x431BDE83, s9  }
0xb8: {  	s24 =	sadd.s32 s5, s8;
	s18 =	smulhi.u32 $0x431BDE83, s17;
	s4 =	sshra.s32 s17, $0x1F  }
0xb9: {  	s9 =	sshrl.u32 s26, $0x1F;
	s20 =	spop (v2sf);
	s4 =	smul.u32 $0x431BDE83, s4  }
0xba: {  	s6 =	sshrl.u32 s24, $0x1F;
	s21 =	smulhi.u32 $0x431BDE83, s20;
	s5 =	sshra.s32 s20, $0x1F  }
0xbb: {  	s25 =	sadd.s32 s7, s10;
	s28 =	spop (v2sf);
	s5 =	smul.u32 $0x431BDE83, s5  }
0xbc: {  	s8 =	sshrl.u32 s25, $0x1F;
	s14 =	smulhi.u32 $0x431BDE83, s28;
	s7 =	sshra.s32 s28, $0x1F  }
0xbd: {  	s28 =	sadd.s32 s13, s12;
	s29 =	spop (v2sf);
	s7 =	smul.u32 $0x431BDE83, s7  }
0xbe: {  	s10 =	smulhi.u32 $0x431BDE83, s29;
	s30 =	sshra.s32 s29, $0x1F;
	s31 =	spop (v2sf)  }
0xbf: {  	s0 =	sadd.s32 s16, s15;
	s3 =	smul.u32 $0x431BDE83, s30;
	s2 =	spop (v2sf)  }
0xc0: {  	s15 =	smulhi.u32 $0x431BDE83, s31;
	s16 =	sshra.s32 s31, $0x1F;
	s17 =	spop (v2sf)  }
0xc1: {  	s29 =	sadd.s32 s4, s18;
	s16 =	smul.u32 $0x431BDE83, s16;
	s12 =	spop (v2sf)  }
0xc2: {  	s20 =	smulhi.u32 $0x431BDE83, s2;
	s11 =	sshra.s32 s2, $0x1F;
	s18 =	spop (v2sf)  }
0xc3: {  	s30 =	sadd.s32 s5, s21;
	s21 =	smul.u32 $0x431BDE83, s11;
	s31 =	spop (v2sf)  }
0xc4: {  	s7 =	sadd.s32 s7, s14;
	s2 =	smulhi.u32 $0x431BDE83, s31;
	s11 =	sshra.s32 s31, $0x1F  }
0xc5: {  	v53 =	vmov s9;
	s9 =	sshrl.u32 s30, $0x1F;
	s3 =	sadd.s32 s3, s10;
	s11 =	smul.u32 $0x431BDE83, s11  }
0xc6: {  	s10 =	sshrl.u32 s28, $0x1F;
	s14 =	sshrl.u32 s7, $0x1F;
	s4 =	sadd.s32 s16, s15  }
0xc7: {  	s16 =	sshrl.u32 s0, $0x1F;
	s13 =	sshrl.u32 s3, $0x1F;
	s31 =	sadd.s32 s11, s2  }
0xc8: {  	v15 =	vsel vm0, s1, v53;
	v54 =	vmov s14;
	s15 =	smulhi.u32 $0x431BDE83, s17;
	s14 =	sshra.s32 s12, $0x1F;
	s2 =	sshra.s32 s31, $0x1F  }
0xc9: {  	vm5 =	vcmask $0x1714;
	v15 =	vsel vm1, s6, v15;
	s5 =	sadd.s32 s21, s20;
	s21 =	sshra.s32 s7, $0x12;
	s1 =	smul.u32 $0x431BDE83, s14;
	v52 =	vmov s2  }
0xca: {  	vm4 =	vmmov vm10;
	v15 =	vsel vm2, s8, v15;
	s20 =	sshra.s32 s17, $0x1F;
	s7 =	sshra.s32 s7, $0x1F;
	s8 =	smulhi.u32 $0x431BDE83, s18;
	v14 =	vsel vm3, s21, v52  }
0xcb: {  	v16 =	vnsel vm3, $0x0, v54;
	v55 =	vmov s16;
	s17 =	sshrl.u32 s29, $0x1F;
	s11 =	smul.u32 $0x431BDE83, s20;
	s20 =	sshra.s32 s3, $0x12;
	v14 =	vsel vm10, s7, v14  }
0xcc: {  	v16 =	vsel vm0, s13, v16;
	s3 =	sshra.s32 s3, $0x1F;
	s21 =	smulhi.u32 $0x431BDE83, s12;
	s7 =	sshrl.u32 s4, $0x1F;
	vm10 =	vcmask $0xF0C;
	v14 =	vsel vm0, s20, v14  }
0xcd: {  	v17 =	vsel vm0, s10, v55;
	s14 =	sshra.s32 s4, $0x12;
	s2 =	sshrl.u32 s5, $0x1F;
	s16 =	sadd.s32 s11, s15;
	v16 =	vsel vm1, s7, v16;
	v14 =	vsel vm10, s3, v14  }
0xce: {  	v17 =	vsel vm1, s17, v17;
	s20 =	sshra.s32 s4, $0x1F;
	s1 =	sadd.s32 s1, s21;
	v16 =	vsel vm2, s2, v16;
	s2 =	sshrl.u32 s16, $0x1F;
	v14 =	vsel vm1, s14, v14  }
0xcf: {  	s13 =	sshra.s32 s18, $0x1F;
	s6 =	sshra.s32 s5, $0x12;
	vm3 =	vmmov vm6;
	s10 =	sshrl.u32 s1, $0x1F;
	v16 =	vsel vm11, s2, v16;
	v14 =	vsel vm5, s20, v14  }
0xd0: {  	s0 =	sshra.s32 s0, $0x12;
	s18 =	smul.u32 $0x431BDE83, s13;
	s12 =	sshra.s32 s5, $0x1F;
	v16 =	vsel vm6, s10, v16;
	vm6 =	vcmask $0x1F1C;
	v14 =	vsel vm2, s6, v14  }
0xd1: {  	v57 =	vmov s0;
	s17 =	sshra.s32 s23, $0x12;
	v17 =	vsel vm2, s9, v17;
	s15 =	sshra.s32 s26, $0x12;
	s14 =	sshra.s32 s16, $0x12;
	v14 =	vsel vm6, s12, v14  }
0xd2: {  	v15 =	vcombine.low v17, v15;
	s11 =	sadd.s32 s18, s8;
	s18 =	sshra.s32 s28, $0x12;
	v56 =	vmov s15;
	s16 =	sshra.s32 s16, $0x1F;
	v14 =	vsel vm11, s14, v14  }
0xd3: {  	s23 =	sshra.s32 s29, $0x12;
	v18 =	vsel vm0, s18, v57;
	v17 =	vsel vm0, s17, v56;
	s21 =	sshra.s32 s24, $0x12;
	s20 =	sshra.s32 s1, $0x12;
	v14 =	vsel vm14, s16, v14  }
0xd4: {  	s26 =	sshra.s32 s25, $0x12;
	s28 =	sshra.s32 s30, $0x12;
	v18 =	vsel vm1, s23, v18;
	s24 =	sshra.s32 s1, $0x1F;
	v17 =	vsel vm1, s21, v17;
	v14 =	vsel vm3, s20, v14  }
0xd5: {  	s29 =	sshra.s32 s11, $0x12;
	v18 =	vsel vm2, s28, v18;
	v17 =	vsel vm2, s26, v17;
	v14 =	vsel vm15, s24, v14  }
0xd6: {  	vm9 =	vcmask $0x3B38;
	s13 =	sshrl.u32 s11, $0x1F;
	s1 =	sshra.s32 s11, $0x1F;
	v17 =	vcombine.low v18, v17;
	v14 =	vsel vm13, s29, v14  }
0xd7: {  	v15 =	vperm.xlane v15, v1;
	s30 =	sshrl.u32 s31, $0x1F;
	s2 =	sshra.s32 s31, $0x12;
	v16 =	vsel vm13, s13, v16;
	v14 =	vsel vm7, s1, v14  }
0xd8: {  	v16 =	vsel vm9, s30, v16;
	v17 =	vperm.xlane v17, v1;
	v14 =	vsel vm9, s2, v14  }
0xd9: {  	v16 =	vperm.xlane v16, v2;
	v14 =	vperm.xlane v14, v2;
	_ =	sdelay $0x1  }
0xda: {  	v15 =	vsel vm8, v16, v15;
	v14 =	vsel vm8, v14, v17  }
0xdb: {  	v14 =	vadd.s32 v15, v14  }
0xdc: {  	v14 =	vmul.u32 $0xF4240, v14  }
0xdd: {  	v58 =	vadd.s32 v4, v12  }
0xde: {  	v59 =	vadd.s32 v4, v11;
	v13 =	vsub.s32 v13, v14  }
0xdf: {  	vm9 =	vlt.s32 v13, $0x0;
	v60 =	vadd.s32 $0xF4240, v13  }
0xe0: {  	v13 =	vsel vm9, v60, v13  }
0xe1: {  	[tilespmem:s22+$0x13E8] =	vst v13  }
0xe2: {  	v13 =	vld.idx.msk [tilespmem:v58+s19+$0x0], $0xffff  }
0xe3: {  	v14 =	vld.idx.msk [tilespmem:v59+s19+$0x0], $0xffff;
	_ =	sdelay $0x3  }
0xe4: {  	v13 =	vmul.u32 $0x9E37, v13  }
0xe5: {  	v14 =	vmul.u32 $0x1E40, v14  }
0xe6: {  	v13 =	vadd.s32 v10, v13  }
0xe7: {  	v13 =	vadd.s32 v14, v13  }
0xe8: {  	(v2sf) =	vpush v13, $0xD;
	_ =	sdelay $0x1  }
0xe9: {  	(v2sf) =	vpush v13, $0xC;
	_ =	sdelay $0x1  }
0xea: {  	(v2sf) =	vpush v13, $0xE;
	_ =	sdelay $0x1  }
0xeb: {  	(v2sf) =	vpush v13, $0xF;
	_ =	sdelay $0x1  }
0xec: {  	(v2sf) =	vpush v13, $0x9;
	_ =	sdelay $0x1  }
0xed: {  	(v2sf) =	vpush v13, $0x8;
	_ =	sdelay $0x1  }
0xee: {  	(v2sf) =	vpush v13, $0xA;
	_ =	sdelay $0x1  }
0xef: {  	(v2sf) =	vpush v13, $0xB  }
0xf0: {  	s3 =	spop (v2sf)  }
0xf1: {  	(v2sf) =	vpush v13, $0x0;
	s4 =	smulhi.u32 $0x431BDE83, s3;
	s0 =	sshra.s32 s3, $0x1F  }
0xf2: {  	s5 =	spop (v2sf);
	s0 =	smul.u32 $0x431BDE83, s0  }
0xf3: {  	(v2sf) =	vpush v13, $0x1;
	s6 =	smulhi.u32 $0x431BDE83, s5;
	s3 =	sshra.s32 s5, $0x1F  }
0xf4: {  	(v2sf) =	vpush v13, $0x2;
	s7 =	spop (v2sf);
	s3 =	smul.u32 $0x431BDE83, s3  }
0xf5: {  	(v2sf) =	vpush v13, $0x3;
	s8 =	smulhi.u32 $0x431BDE83, s7;
	s5 =	sshra.s32 s7, $0x1F  }
0xf6: {  	(v2sf) =	vpush v13, $0x4;
	s9 =	spop (v2sf);
	s5 =	smul.u32 $0x431BDE83, s5  }
0xf7: {  	(v2sf) =	vpush v13, $0x5;
	s10 =	smulhi.u32 $0x431BDE83, s9;
	s7 =	sshra.s32 s9, $0x1F  }
0xf8: {  	(v2sf) =	vpush v13, $0x6;
	s11 =	spop (v2sf);
	s7 =	smul.u32 $0x431BDE83, s7  }
0xf9: {  	(v2sf) =	vpush v13, $0x7;
	s12 =	smulhi.u32 $0x431BDE83, s11;
	s9 =	sshra.s32 s11, $0x1F  }
0xfa: {  	s23 =	sadd.s32 s0, s4;
	s14 =	spop (v2sf);
	s13 =	smul.u32 $0x431BDE83, s9  }
0xfb: {  	s1 =	sshrl.u32 s23, $0x1F;
	s15 =	smulhi.u32 $0x431BDE83, s14;
	s9 =	sshra.s32 s14, $0x1F  }
0xfc: {  	s26 =	sadd.s32 s3, s6;
	s17 =	spop (v2sf);
	s16 =	smul.u32 $0x431BDE83, s9  }
0xfd: {  	s24 =	sadd.s32 s5, s8;
	s18 =	smulhi.u32 $0x431BDE83, s17;
	s4 =	sshra.s32 s17, $0x1F  }
0xfe: {  	s9 =	sshrl.u32 s26, $0x1F;
	s20 =	spop (v2sf);
	s4 =	smul.u32 $0x431BDE83, s4  }
0xff: {  	s6 =	sshrl.u32 s24, $0x1F;
	s21 =	smulhi.u32 $0x431BDE83, s20;
	s5 =	sshra.s32 s20, $0x1F  }
0x100: {  	s25 =	sadd.s32 s7, s10;
	s28 =	spop (v2sf);
	s5 =	smul.u32 $0x431BDE83, s5  }
0x101: {  	s8 =	sshrl.u32 s25, $0x1F;
	s14 =	smulhi.u32 $0x431BDE83, s28;
	s7 =	sshra.s32 s28, $0x1F  }
0x102: {  	s28 =	sadd.s32 s13, s12;
	s29 =	spop (v2sf);
	s7 =	smul.u32 $0x431BDE83, s7  }
0x103: {  	s10 =	smulhi.u32 $0x431BDE83, s29;
	s30 =	sshra.s32 s29, $0x1F;
	s31 =	spop (v2sf)  }
0x104: {  	s0 =	sadd.s32 s16, s15;
	s3 =	smul.u32 $0x431BDE83, s30;
	s2 =	spop (v2sf)  }
0x105: {  	s15 =	smulhi.u32 $0x431BDE83, s31;
	s16 =	sshra.s32 s31, $0x1F;
	s17 =	spop (v2sf)  }
0x106: {  	s29 =	sadd.s32 s4, s18;
	s16 =	smul.u32 $0x431BDE83, s16;
	s12 =	spop (v2sf)  }
0x107: {  	s20 =	smulhi.u32 $0x431BDE83, s2;
	s11 =	sshra.s32 s2, $0x1F;
	s18 =	spop (v2sf)  }
0x108: {  	s30 =	sadd.s32 s5, s21;
	s21 =	smul.u32 $0x431BDE83, s11;
	s31 =	spop (v2sf)  }
0x109: {  	s7 =	sadd.s32 s7, s14;
	s2 =	smulhi.u32 $0x431BDE83, s31;
	s11 =	sshra.s32 s31, $0x1F  }
0x10a: {  	v62 =	vmov s9;
	s9 =	sshrl.u32 s30, $0x1F;
	s3 =	sadd.s32 s3, s10;
	s11 =	smul.u32 $0x431BDE83, s11  }
0x10b: {  	s10 =	sshrl.u32 s28, $0x1F;
	s14 =	sshrl.u32 s7, $0x1F;
	s4 =	sadd.s32 s16, s15  }
0x10c: {  	s16 =	sshrl.u32 s0, $0x1F;
	s13 =	sshrl.u32 s3, $0x1F;
	s31 =	sadd.s32 s11, s2  }
0x10d: {  	vm11 =	vcmask $0x300;
	v15 =	vsel vm0, s1, v62;
	s0 =	sshra.s32 s0, $0x12;
	s15 =	smulhi.u32 $0x431BDE83, s17;
	s2 =	sshra.s32 s31, $0x1F  }
0x10e: {  	v15 =	vsel vm1, s6, v15;
	v63 =	vmov s14;
	s14 =	sshra.s32 s12, $0x1F;
	s5 =	sadd.s32 s21, s20;
	s21 =	sshra.s32 s7, $0x12;
	v61 =	vmov s2  }
0x10f: {  	v15 =	vsel vm2, s8, v15;
	v20 =	vmov s16;
	s20 =	sshra.s32 s17, $0x1F;
	s7 =	sshra.s32 s7, $0x1F;
	s1 =	smul.u32 $0x431BDE83, s14;
	v14 =	vsel vm11, s21, v61  }
0x110: {  	v16 =	vnsel vm11, $0x0, v63;
	v17 =	vsel vm0, s10, v20;
	s17 =	sshrl.u32 s29, $0x1F;
	s11 =	smul.u32 $0x431BDE83, s20;
	s20 =	sshra.s32 s3, $0x12;
	v14 =	vsel vm4, s7, v14  }
0x111: {  	v16 =	vsel vm0, s13, v16;
	s8 =	smulhi.u32 $0x431BDE83, s18;
	s13 =	sshra.s32 s18, $0x1F;
	v17 =	vsel vm1, s17, v17;
	s3 =	sshra.s32 s3, $0x1F;
	v14 =	vsel vm0, s20, v14  }
0x112: {  	vm3 =	vmmov vm7;
	s14 =	sshra.s32 s4, $0x12;
	s18 =	smul.u32 $0x431BDE83, s13;
	s6 =	sshra.s32 s5, $0x12;
	v17 =	vsel vm2, s9, v17;
	v14 =	vsel vm10, s3, v14  }
0x113: {  	vm7 =	vmmov vm5;
	s17 =	sshra.s32 s23, $0x12;
	v15 =	vcombine.low v17, v15;
	s16 =	sadd.s32 s11, s15;
	s20 =	sshra.s32 s4, $0x1F;
	v14 =	vsel vm1, s14, v14  }
0x114: {  	vm9 =	vcmask $0x2320;
	v22 =	vmov s0;
	s11 =	sadd.s32 s18, s8;
	s15 =	sshra.s32 s26, $0x12;
	s18 =	sshra.s32 s28, $0x12;
	v14 =	vsel vm5, s20, v14  }
0x115: {  	v15 =	vperm.xlane v15, v1;
	s21 =	smulhi.u32 $0x431BDE83, s12;
	s12 =	sshra.s32 s5, $0x1F;
	v21 =	vmov s15;
	s7 =	sshrl.u32 s4, $0x1F;
	v14 =	vsel vm2, s6, v14  }
0x116: {  	s23 =	sshra.s32 s29, $0x12;
	s2 =	sshrl.u32 s5, $0x1F;
	v18 =	vsel vm0, s18, v22;
	v16 =	vsel vm1, s7, v16;
	s14 =	sshra.s32 s16, $0x12;
	v14 =	vsel vm6, s12, v14  }
0x117: {  	v17 =	vsel vm0, s17, v21;
	s1 =	sadd.s32 s1, s21;
	v16 =	vsel vm2, s2, v16;
	s2 =	sshrl.u32 s16, $0x1F;
	s16 =	sshra.s32 s16, $0x1F;
	v14 =	vsel vm9, s14, v14  }
0x118: {  	s28 =	sshra.s32 s30, $0x12;
	v18 =	vsel vm1, s23, v18;
	s21 =	sshra.s32 s24, $0x12;
	vm5 =	vcmask $0x2B28;
	s20 =	sshra.s32 s1, $0x12;
	v14 =	vsel vm14, s16, v14  }
0x119: {  	s26 =	sshra.s32 s25, $0x12;
	v18 =	vsel vm2, s28, v18;
	s24 =	sshra.s32 s1, $0x1F;
	v17 =	vsel vm1, s21, v17;
	v14 =	vsel vm5, s20, v14  }
0x11a: {  	s29 =	sshra.s32 s11, $0x12;
	s10 =	sshrl.u32 s1, $0x1F;
	v16 =	vsel vm9, s2, v16;
	v17 =	vsel vm2, s26, v17;
	v14 =	vsel vm15, s24, v14  }
0x11b: {  	s13 =	sshrl.u32 s11, $0x1F;
	s1 =	sshra.s32 s11, $0x1F;
	v17 =	vcombine.low v18, v17;
	v16 =	vsel vm5, s10, v16;
	v14 =	vsel vm13, s29, v14  }
0x11c: {  	s30 =	sshrl.u32 s31, $0x1F;
	s2 =	sshra.s32 s31, $0x12;
	v16 =	vsel vm13, s13, v16;
	vm13 =	vcmask $0x3B38;
	v14 =	vsel vm3, s1, v14  }
0x11d: {  	v17 =	vperm.xlane v17, v1;
	v16 =	vsel vm13, s30, v16;
	v14 =	vsel vm13, s2, v14  }
0x11e: {  	v16 =	vperm.xlane v16, v2;
	v14 =	vperm.xlane v14, v2;
	_ =	sdelay $0x1  }
0x11f: {  	v15 =	vsel vm8, v16, v15;
	v14 =	vsel vm8, v14, v17  }
0x120: {  	v14 =	vadd.s32 v15, v14  }
0x121: {  	v14 =	vmul.u32 $0xF4240, v14  }
0x122: {  	v23 =	vadd.s32 v5, v12  }
0x123: {  	v24 =	vadd.s32 v5, v11;
	v13 =	vsub.s32 v13, v14  }
0x124: {  	vm9 =	vlt.s32 v13, $0x0;
	v25 =	vadd.s32 $0xF4240, v13  }
0x125: {  	v13 =	vsel vm9, v25, v13  }
0x126: {  	[tilespmem:s22+$0x13F8] =	vst v13  }
0x127: {  	v13 =	vld.idx.msk [tilespmem:v23+s19+$0x0], $0xffff  }
0x128: {  	v14 =	vld.idx.msk [tilespmem:v24+s19+$0x0], $0xffff;
	_ =	sdelay $0x3  }
0x129: {  	v13 =	vmul.u32 $0x9E37, v13  }
0x12a: {  	v14 =	vmul.u32 $0x1E40, v14  }
0x12b: {  	v13 =	vadd.s32 v10, v13  }
0x12c: {  	v13 =	vadd.s32 v14, v13  }
0x12d: {  	(v2sf) =	vpush v13, $0xD;
	_ =	sdelay $0x1  }
0x12e: {  	(v2sf) =	vpush v13, $0xC;
	_ =	sdelay $0x1  }
0x12f: {  	(v2sf) =	vpush v13, $0xE;
	_ =	sdelay $0x1  }
0x130: {  	(v2sf) =	vpush v13, $0xF;
	_ =	sdelay $0x1  }
0x131: {  	(v2sf) =	vpush v13, $0x9;
	_ =	sdelay $0x1  }
0x132: {  	(v2sf) =	vpush v13, $0x8;
	_ =	sdelay $0x1  }
0x133: {  	(v2sf) =	vpush v13, $0xA;
	_ =	sdelay $0x1  }
0x134: {  	(v2sf) =	vpush v13, $0xB  }
0x135: {  	s3 =	spop (v2sf)  }
0x136: {  	(v2sf) =	vpush v13, $0x0;
	s4 =	smulhi.u32 $0x431BDE83, s3;
	s0 =	sshra.s32 s3, $0x1F  }
0x137: {  	s5 =	spop (v2sf);
	s0 =	smul.u32 $0x431BDE83, s0  }
0x138: {  	(v2sf) =	vpush v13, $0x1;
	s6 =	smulhi.u32 $0x431BDE83, s5;
	s3 =	sshra.s32 s5, $0x1F  }
0x139: {  	(v2sf) =	vpush v13, $0x2;
	s7 =	spop (v2sf);
	s3 =	smul.u32 $0x431BDE83, s3  }
0x13a: {  	(v2sf) =	vpush v13, $0x3;
	s8 =	smulhi.u32 $0x431BDE83, s7;
	s5 =	sshra.s32 s7, $0x1F  }
0x13b: {  	(v2sf) =	vpush v13, $0x4;
	s9 =	spop (v2sf);
	s5 =	smul.u32 $0x431BDE83, s5  }
0x13c: {  	(v2sf) =	vpush v13, $0x5;
	s10 =	smulhi.u32 $0x431BDE83, s9;
	s7 =	sshra.s32 s9, $0x1F  }
0x13d: {  	(v2sf) =	vpush v13, $0x6;
	s11 =	spop (v2sf);
	s7 =	smul.u32 $0x431BDE83, s7  }
0x13e: {  	(v2sf) =	vpush v13, $0x7;
	s12 =	smulhi.u32 $0x431BDE83, s11;
	s9 =	sshra.s32 s11, $0x1F  }
0x13f: {  	s23 =	sadd.s32 s0, s4;
	s14 =	spop (v2sf);
	s13 =	smul.u32 $0x431BDE83, s9  }
0x140: {  	s1 =	sshrl.u32 s23, $0x1F;
	s15 =	smulhi.u32 $0x431BDE83, s14;
	s9 =	sshra.s32 s14, $0x1F  }
0x141: {  	s26 =	sadd.s32 s3, s6;
	s17 =	spop (v2sf);
	s16 =	smul.u32 $0x431BDE83, s9  }
0x142: {  	s24 =	sadd.s32 s5, s8;
	s18 =	smulhi.u32 $0x431BDE83, s17;
	s4 =	sshra.s32 s17, $0x1F  }
0x143: {  	s9 =	sshrl.u32 s26, $0x1F;
	s20 =	spop (v2sf);
	s4 =	smul.u32 $0x431BDE83, s4  }
0x144: {  	s6 =	sshrl.u32 s24, $0x1F;
	s21 =	smulhi.u32 $0x431BDE83, s20;
	s5 =	sshra.s32 s20, $0x1F  }
0x145: {  	s25 =	sadd.s32 s7, s10;
	s28 =	spop (v2sf);
	s5 =	smul.u32 $0x431BDE83, s5  }
0x146: {  	s8 =	sshrl.u32 s25, $0x1F;
	s14 =	smulhi.u32 $0x431BDE83, s28;
	s7 =	sshra.s32 s28, $0x1F  }
0x147: {  	s28 =	sadd.s32 s13, s12;
	s29 =	spop (v2sf);
	s7 =	smul.u32 $0x431BDE83, s7  }
0x148: {  	s10 =	smulhi.u32 $0x431BDE83, s29;
	s30 =	sshra.s32 s29, $0x1F;
	s31 =	spop (v2sf)  }
0x149: {  	s0 =	sadd.s32 s16, s15;
	s3 =	smul.u32 $0x431BDE83, s30;
	s2 =	spop (v2sf)  }
0x14a: {  	s15 =	smulhi.u32 $0x431BDE83, s31;
	s16 =	sshra.s32 s31, $0x1F;
	s17 =	spop (v2sf)  }
0x14b: {  	s29 =	sadd.s32 s4, s18;
	s16 =	smul.u32 $0x431BDE83, s16;
	s12 =	spop (v2sf)  }
0x14c: {  	s20 =	smulhi.u32 $0x431BDE83, s2;
	s11 =	sshra.s32 s2, $0x1F;
	s18 =	spop (v2sf)  }
0x14d: {  	s30 =	sadd.s32 s5, s21;
	s21 =	smul.u32 $0x431BDE83, s11;
	s31 =	spop (v2sf)  }
0x14e: {  	s7 =	sadd.s32 s7, s14;
	s2 =	smulhi.u32 $0x431BDE83, s31;
	s11 =	sshra.s32 s31, $0x1F  }
0x14f: {  	v27 =	vmov s9;
	s9 =	sshrl.u32 s30, $0x1F;
	s3 =	sadd.s32 s3, s10;
	s11 =	smul.u32 $0x431BDE83, s11  }
0x150: {  	s10 =	sshrl.u32 s28, $0x1F;
	s14 =	sshrl.u32 s7, $0x1F;
	s4 =	sadd.s32 s16, s15  }
0x151: {  	vm12 =	vmmov vm4;
	s16 =	sshrl.u32 s0, $0x1F;
	s13 =	sshrl.u32 s3, $0x1F;
	s31 =	sadd.s32 s11, s2  }
0x152: {  	vm4 =	vmmov vm10;
	vm10 =	vmmov vm11;
	v15 =	vsel vm0, s1, v27;
	s0 =	sshra.s32 s0, $0x12;
	s15 =	smulhi.u32 $0x431BDE83, s17;
	s2 =	sshra.s32 s31, $0x1F  }
0x153: {  	v15 =	vsel vm1, s6, v15;
	v28 =	vmov s14;
	s14 =	sshra.s32 s12, $0x1F;
	s5 =	sadd.s32 s21, s20;
	s21 =	sshra.s32 s7, $0x12;
	v26 =	vmov s2  }
0x154: {  	v15 =	vsel vm2, s8, v15;
	v29 =	vmov s16;
	s20 =	sshra.s32 s17, $0x1F;
	s7 =	sshra.s32 s7, $0x1F;
	s1 =	smul.u32 $0x431BDE83, s14;
	v14 =	vsel vm11, s21, v26  }
0x155: {  	v16 =	vnsel vm11, $0x0, v28;
	v17 =	vsel vm0, s10, v29;
	s17 =	sshrl.u32 s29, $0x1F;
	s11 =	smul.u32 $0x431BDE83, s20;
	s20 =	sshra.s32 s3, $0x12;
	v14 =	vsel vm12, s7, v14  }
0x156: {  	v16 =	vsel vm0, s13, v16;
	s8 =	smulhi.u32 $0x431BDE83, s18;
	s13 =	sshra.s32 s18, $0x1F;
	v17 =	vsel vm1, s17, v17;
	s3 =	sshra.s32 s3, $0x1F;
	v14 =	vsel vm0, s20, v14  }
0x157: {  	vm5 =	vmmov vm4;
	s14 =	sshra.s32 s4, $0x12;
	s18 =	smul.u32 $0x431BDE83, s13;
	s6 =	sshra.s32 s5, $0x12;
	v17 =	vsel vm2, s9, v17;
	v14 =	vsel vm4, s3, v14  }
0x158: {  	v31 =	vmov s0;
	v15 =	vcombine.low v17, v15;
	s16 =	sadd.s32 s11, s15;
	s15 =	sshra.s32 s26, $0x12;
	s20 =	sshra.s32 s4, $0x1F;
	v14 =	vsel vm1, s14, v14  }
0x159: {  	s17 =	sshra.s32 s23, $0x12;
	s11 =	sadd.s32 s18, s8;
	s18 =	sshra.s32 s28, $0x12;
	vm11 =	vmmov vm7;
	v30 =	vmov s15;
	v14 =	vsel vm7, s20, v14  }
0x15a: {  	s21 =	smulhi.u32 $0x431BDE83, s12;
	s12 =	sshra.s32 s5, $0x1F;
	v18 =	vsel vm0, s18, v31;
	s7 =	sshrl.u32 s4, $0x1F;
	vm12 =	vcmask $0x3330;
	v14 =	vsel vm2, s6, v14  }
0x15b: {  	s23 =	sshra.s32 s29, $0x12;
	s2 =	sshrl.u32 s5, $0x1F;
	v16 =	vsel vm1, s7, v16;
	vm4 =	vcmask $0x2320;
	s14 =	sshra.s32 s16, $0x12;
	v14 =	vsel vm6, s12, v14  }
0x15c: {  	v17 =	vsel vm0, s17, v30;
	s1 =	sadd.s32 s1, s21;
	v16 =	vsel vm2, s2, v16;
	s2 =	sshrl.u32 s16, $0x1F;
	s16 =	sshra.s32 s16, $0x1F;
	v14 =	vsel vm4, s14, v14  }
0x15d: {  	s28 =	sshra.s32 s30, $0x12;
	v18 =	vsel vm1, s23, v18;
	s21 =	sshra.s32 s24, $0x12;
	vm7 =	vcmask $0x2B28;
	s20 =	sshra.s32 s1, $0x12;
	v14 =	vsel vm14, s16, v14  }
0x15e: {  	s26 =	sshra.s32 s25, $0x12;
	v18 =	vsel vm2, s28, v18;
	s24 =	sshra.s32 s1, $0x1F;
	v17 =	vsel vm1, s21, v17;
	v14 =	vsel vm7, s20, v14  }
0x15f: {  	s29 =	sshra.s32 s11, $0x12;
	s10 =	sshrl.u32 s1, $0x1F;
	v16 =	vsel vm4, s2, v16;
	v17 =	vsel vm2, s26, v17;
	v14 =	vsel vm15, s24, v14  }
0x160: {  	s13 =	sshrl.u32 s11, $0x1F;
	s1 =	sshra.s32 s11, $0x1F;
	v17 =	vcombine.low v18, v17;
	v16 =	vsel vm7, s10, v16;
	v14 =	vsel vm12, s29, v14  }
0x161: {  	v15 =	vperm.xlane v15, v1;
	s30 =	sshrl.u32 s31, $0x1F;
	s2 =	sshra.s32 s31, $0x12;
	v16 =	vsel vm12, s13, v16;
	v14 =	vsel vm3, s1, v14  }
0x162: {  	v17 =	vperm.xlane v17, v1;
	v16 =	vsel vm13, s30, v16;
	v14 =	vsel vm13, s2, v14  }
0x163: {  	v16 =	vperm.xlane v16, v2;
	v14 =	vperm.xlane v14, v2;
	_ =	sdelay $0x1  }
0x164: {  	v15 =	vsel vm8, v16, v15;
	v14 =	vsel vm8, v14, v17  }
0x165: {  	v14 =	vadd.s32 v15, v14  }
0x166: {  	v14 =	vmul.u32 $0xF4240, v14  }
0x167: {  	v32 =	vadd.s32 v6, v12  }
0x168: {  	v33 =	vadd.s32 v6, v11;
	v13 =	vsub.s32 v13, v14  }
0x169: {  	vm9 =	vlt.s32 v13, $0x0;
	v34 =	vadd.s32 $0xF4240, v13  }
0x16a: {  	v13 =	vsel vm9, v34, v13  }
0x16b: {  	[tilespmem:s22+$0x1408] =	vst v13  }
0x16c: {  	v13 =	vld.idx.msk [tilespmem:v32+s19+$0x0], $0xffff  }
0x16d: {  	v14 =	vld.idx.msk [tilespmem:v33+s19+$0x0], $0xffff;
	_ =	sdelay $0x3  }
0x16e: {  	v13 =	vmul.u32 $0x9E37, v13  }
0x16f: {  	v14 =	vmul.u32 $0x1E40, v14  }
0x170: {  	v13 =	vadd.s32 v10, v13  }
0x171: {  	v13 =	vadd.s32 v14, v13  }
0x172: {  	(v2sf) =	vpush v13, $0xD;
	_ =	sdelay $0x1  }
0x173: {  	(v2sf) =	vpush v13, $0xC;
	_ =	sdelay $0x1  }
0x174: {  	(v2sf) =	vpush v13, $0xE;
	_ =	sdelay $0x1  }
0x175: {  	(v2sf) =	vpush v13, $0xF;
	_ =	sdelay $0x1  }
0x176: {  	(v2sf) =	vpush v13, $0x9;
	_ =	sdelay $0x1  }
0x177: {  	(v2sf) =	vpush v13, $0x8;
	_ =	sdelay $0x1  }
0x178: {  	(v2sf) =	vpush v13, $0xA;
	_ =	sdelay $0x1  }
0x179: {  	(v2sf) =	vpush v13, $0xB  }
0x17a: {  	s3 =	spop (v2sf)  }
0x17b: {  	(v2sf) =	vpush v13, $0x0;
	s4 =	smulhi.u32 $0x431BDE83, s3;
	s0 =	sshra.s32 s3, $0x1F  }
0x17c: {  	s5 =	spop (v2sf);
	s0 =	smul.u32 $0x431BDE83, s0  }
0x17d: {  	(v2sf) =	vpush v13, $0x1;
	s6 =	smulhi.u32 $0x431BDE83, s5;
	s3 =	sshra.s32 s5, $0x1F  }
0x17e: {  	s7 =	spop (v2sf);
	s3 =	smul.u32 $0x431BDE83, s3  }
0x17f: {  	(v2sf) =	vpush v13, $0x2;
	s8 =	smulhi.u32 $0x431BDE83, s7;
	s5 =	sshra.s32 s7, $0x1F  }
0x180: {  	s9 =	spop (v2sf);
	s5 =	smul.u32 $0x431BDE83, s5  }
0x181: {  	(v2sf) =	vpush v13, $0x3;
	s10 =	smulhi.u32 $0x431BDE83, s9;
	s7 =	sshra.s32 s9, $0x1F  }
0x182: {  	(v2sf) =	vpush v13, $0x4;
	s11 =	spop (v2sf);
	s7 =	smul.u32 $0x431BDE83, s7  }
0x183: {  	(v2sf) =	vpush v13, $0x5;
	s12 =	smulhi.u32 $0x431BDE83, s11;
	s9 =	sshra.s32 s11, $0x1F  }
0x184: {  	(v2sf) =	vpush v13, $0x6;
	s14 =	spop (v2sf);
	s13 =	smul.u32 $0x431BDE83, s9  }
0x185: {  	(v2sf) =	vpush v13, $0x7;
	s15 =	smulhi.u32 $0x431BDE83, s14;
	s9 =	sshra.s32 s14, $0x1F  }
0x186: {  	s23 =	sadd.s32 s0, s4;
	s17 =	spop (v2sf);
	s16 =	smul.u32 $0x431BDE83, s9  }
0x187: {  	s1 =	sshrl.u32 s23, $0x1F;
	s18 =	smulhi.u32 $0x431BDE83, s17;
	s4 =	sshra.s32 s17, $0x1F  }
0x188: {  	s26 =	sadd.s32 s3, s6;
	s20 =	spop (v2sf);
	s4 =	smul.u32 $0x431BDE83, s4  }
0x189: {  	s24 =	sadd.s32 s5, s8;
	s21 =	smulhi.u32 $0x431BDE83, s20;
	s5 =	sshra.s32 s20, $0x1F  }
0x18a: {  	s9 =	sshrl.u32 s26, $0x1F;
	s28 =	spop (v2sf);
	s5 =	smul.u32 $0x431BDE83, s5  }
0x18b: {  	s25 =	sadd.s32 s7, s10;
	s14 =	smulhi.u32 $0x431BDE83, s28;
	s7 =	sshra.s32 s28, $0x1F  }
0x18c: {  	s6 =	sshrl.u32 s24, $0x1F;
	s29 =	spop (v2sf);
	s7 =	smul.u32 $0x431BDE83, s7  }
0x18d: {  	s8 =	sshrl.u32 s25, $0x1F;
	s10 =	smulhi.u32 $0x431BDE83, s29;
	s30 =	sshra.s32 s29, $0x1F  }
0x18e: {  	s28 =	sadd.s32 s13, s12;
	s31 =	spop (v2sf);
	s3 =	smul.u32 $0x431BDE83, s30  }
0x18f: {  	s0 =	sadd.s32 s16, s15;
	s29 =	sadd.s32 s4, s18;
	s15 =	smulhi.u32 $0x431BDE83, s31  }
0x190: {  	s16 =	sshra.s32 s31, $0x1F;
	s30 =	sadd.s32 s5, s21;
	s2 =	spop (v2sf)  }
0x191: {  	s16 =	smul.u32 $0x431BDE83, s16;
	s7 =	sadd.s32 s7, s14;
	s17 =	spop (v2sf)  }
0x192: {  	v36 =	vmov s9;
	s9 =	sshrl.u32 s30, $0x1F;
	s3 =	sadd.s32 s3, s10;
	s12 =	spop (v2sf)  }
0x193: {  	s20 =	smulhi.u32 $0x431BDE83, s2;
	s11 =	sshra.s32 s2, $0x1F;
	s18 =	spop (v2sf)  }
0x194: {  	s10 =	sshrl.u32 s28, $0x1F;
	s21 =	smul.u32 $0x431BDE83, s11;
	s31 =	spop (v2sf)  }
0x195: {  	s14 =	sshrl.u32 s7, $0x1F;
	s2 =	smulhi.u32 $0x431BDE83, s31;
	s11 =	sshra.s32 s31, $0x1F  }
0x196: {  	s4 =	sadd.s32 s16, s15;
	s16 =	sshrl.u32 s0, $0x1F;
	s11 =	smul.u32 $0x431BDE83, s11  }
0x197: {  	vm4 =	vmmov vm3;
	v15 =	vsel vm0, s1, v36;
	s13 =	sshrl.u32 s3, $0x1F;
	s0 =	sshra.s32 s0, $0x12;
	s15 =	smulhi.u32 $0x431BDE83, s17  }
0x198: {  	vm3 =	vmmov vm10;
	v15 =	vsel vm1, s6, v15;
	v37 =	vmov s14;
	s14 =	sshra.s32 s12, $0x1F;
	s5 =	sadd.s32 s21, s20;
	s31 =	sadd.s32 s11, s2  }
0x199: {  	v15 =	vsel vm2, s8, v15;
	v16 =	vnsel vm3, $0x0, v37;
	s20 =	sshra.s32 s17, $0x1F;
	s1 =	smul.u32 $0x431BDE83, s14;
	s2 =	sshra.s32 s31, $0x1F  }
0x19a: {  	v38 =	vmov s16;
	v16 =	vsel vm0, s13, v16;
	s21 =	sshra.s32 s7, $0x12;
	s7 =	sshra.s32 s7, $0x1F;
	s8 =	smulhi.u32 $0x431BDE83, s18;
	v35 =	vmov s2  }
0x19b: {  	v17 =	vsel vm0, s10, v38;
	s17 =	sshrl.u32 s29, $0x1F;
	s13 =	sshra.s32 s18, $0x1F;
	s11 =	smul.u32 $0x431BDE83, s20;
	v14 =	vsel vm10, s21, v35;
	vm10 =	vcmask $0x704  }
0x19c: {  	vm15 =	vmmov vm12;
	s14 =	sshra.s32 s4, $0x12;
	s18 =	smul.u32 $0x431BDE83, s13;
	v17 =	vsel vm1, s17, v17;
	s20 =	sshra.s32 s3, $0x12;
	v14 =	vsel vm10, s7, v14  }
0x19d: {  	vm12 =	vmmov vm5;
	s17 =	sshra.s32 s23, $0x12;
	v17 =	vsel vm2, s9, v17;
	s3 =	sshra.s32 s3, $0x1F;
	s16 =	sadd.s32 s11, s15;
	v14 =	vsel vm0, s20, v14  }
0x19e: {  	v40 =	vmov s0;
	v15 =	vcombine.low v17, v15;
	s11 =	sadd.s32 s18, s8;
	s15 =	sshra.s32 s26, $0x12;
	s18 =	sshra.s32 s28, $0x12;
	v14 =	vsel vm5, s3, v14  }
0x19f: {  	s21 =	smulhi.u32 $0x431BDE83, s12;
	v39 =	vmov s15;
	v18 =	vsel vm0, s18, v40;
	s7 =	sshrl.u32 s4, $0x1F;
	s20 =	sshra.s32 s4, $0x1F;
	v14 =	vsel vm1, s14, v14  }
0x1a0: {  	s6 =	sshra.s32 s5, $0x12;
	s23 =	sshra.s32 s29, $0x12;
	s2 =	sshrl.u32 s5, $0x1F;
	v17 =	vsel vm0, s17, v39;
	v16 =	vsel vm1, s7, v16;
	v14 =	vsel vm11, s20, v14  }
0x1a1: {  	s12 =	sshra.s32 s5, $0x1F;
	s1 =	sadd.s32 s1, s21;
	v16 =	vsel vm2, s2, v16;
	s2 =	sshrl.u32 s16, $0x1F;
	vm5 =	vcmask $0x2320;
	v14 =	vsel vm2, s6, v14  }
0x1a2: {  	v18 =	vsel vm1, s23, v18;
	s21 =	sshra.s32 s24, $0x12;
	s10 =	sshrl.u32 s1, $0x1F;
	v16 =	vsel vm5, s2, v16;
	s14 =	sshra.s32 s16, $0x12;
	v14 =	vsel vm6, s12, v14  }
0x1a3: {  	s13 =	sshrl.u32 s11, $0x1F;
	v17 =	vsel vm1, s21, v17;
	s16 =	sshra.s32 s16, $0x1F;
	v16 =	vsel vm7, s10, v16;
	v14 =	vsel vm5, s14, v14  }
0x1a4: {  	vm11 =	vmmov vm15;
	s20 =	sshra.s32 s1, $0x12;
	v16 =	vsel vm15, s13, v16;
	v14 =	vsel vm14, s16, v14  }
0x1a5: {  	s26 =	sshra.s32 s25, $0x12;
	s28 =	sshra.s32 s30, $0x12;
	s24 =	sshra.s32 s1, $0x1F;
	vm15 =	vmmov vm5;
	vm5 =	vcmask $0x2F2C;
	v14 =	vsel vm7, s20, v14  }
0x1a6: {  	s29 =	sshra.s32 s11, $0x12;
	v18 =	vsel vm2, s28, v18;
	v17 =	vsel vm2, s26, v17;
	v14 =	vsel vm5, s24, v14  }
0x1a7: {  	s1 =	sshra.s32 s11, $0x1F;
	v17 =	vcombine.low v18, v17;
	v14 =	vsel vm11, s29, v14  }
0x1a8: {  	v15 =	vperm.xlane v15, v1;
	s30 =	sshrl.u32 s31, $0x1F;
	s2 =	sshra.s32 s31, $0x12;
	vm6 =	vmmov vm13;
	v14 =	vsel vm4, s1, v14  }
0x1a9: {  	v16 =	vsel vm13, s30, v16;
	v17 =	vperm.xlane v17, v1;
	v14 =	vsel vm6, s2, v14  }
0x1aa: {  	v16 =	vperm.xlane v16, v2;
	v14 =	vperm.xlane v14, v2;
	_ =	sdelay $0x1  }
0x1ab: {  	v15 =	vsel vm8, v16, v15;
	v14 =	vsel vm8, v14, v17  }
0x1ac: {  	v14 =	vadd.s32 v15, v14  }
0x1ad: {  	v14 =	vmul.u32 $0xF4240, v14  }
0x1ae: {  	v41 =	vadd.s32 v7, v12  }
0x1af: {  	v42 =	vadd.s32 v7, v11;
	v13 =	vsub.s32 v13, v14  }
0x1b0: {  	vm9 =	vlt.s32 v13, $0x0;
	v43 =	vadd.s32 $0xF4240, v13  }
0x1b1: {  	v13 =	vsel vm9, v43, v13  }
0x1b2: {  	[tilespmem:s22+$0x1418] =	vst v13  }
0x1b3: {  	v13 =	vld.idx.msk [tilespmem:v41+s19+$0x0], $0xffff  }
0x1b4: {  	v14 =	vld.idx.msk [tilespmem:v42+s19+$0x0], $0xffff;
	_ =	sdelay $0x3  }
0x1b5: {  	v13 =	vmul.u32 $0x9E37, v13  }
0x1b6: {  	v14 =	vmul.u32 $0x1E40, v14  }
0x1b7: {  	v13 =	vadd.s32 v10, v13  }
0x1b8: {  	v13 =	vadd.s32 v14, v13  }
0x1b9: {  	(v2sf) =	vpush v13, $0xD;
	_ =	sdelay $0x1  }
0x1ba: {  	(v2sf) =	vpush v13, $0xC;
	_ =	sdelay $0x1  }
0x1bb: {  	(v2sf) =	vpush v13, $0xE;
	_ =	sdelay $0x1  }
0x1bc: {  	(v2sf) =	vpush v13, $0xF;
	_ =	sdelay $0x1  }
0x1bd: {  	(v2sf) =	vpush v13, $0x9;
	_ =	sdelay $0x1  }
0x1be: {  	(v2sf) =	vpush v13, $0x8;
	_ =	sdelay $0x1  }
0x1bf: {  	(v2sf) =	vpush v13, $0xA;
	_ =	sdelay $0x1  }
0x1c0: {  	(v2sf) =	vpush v13, $0xB  }
0x1c1: {  	s3 =	spop (v2sf)  }
0x1c2: {  	(v2sf) =	vpush v13, $0x0;
	s4 =	smulhi.u32 $0x431BDE83, s3;
	s0 =	sshra.s32 s3, $0x1F  }
0x1c3: {  	s5 =	spop (v2sf);
	s0 =	smul.u32 $0x431BDE83, s0  }
0x1c4: {  	(v2sf) =	vpush v13, $0x1;
	s6 =	smulhi.u32 $0x431BDE83, s5;
	s3 =	sshra.s32 s5, $0x1F  }
0x1c5: {  	(v2sf) =	vpush v13, $0x2;
	s7 =	spop (v2sf);
	s3 =	smul.u32 $0x431BDE83, s3  }
0x1c6: {  	(v2sf) =	vpush v13, $0x3;
	s8 =	smulhi.u32 $0x431BDE83, s7;
	s5 =	sshra.s32 s7, $0x1F  }
0x1c7: {  	(v2sf) =	vpush v13, $0x4;
	s9 =	spop (v2sf);
	s5 =	smul.u32 $0x431BDE83, s5  }
0x1c8: {  	(v2sf) =	vpush v13, $0x5;
	s10 =	smulhi.u32 $0x431BDE83, s9;
	s7 =	sshra.s32 s9, $0x1F  }
0x1c9: {  	(v2sf) =	vpush v13, $0x6;
	s11 =	spop (v2sf);
	s7 =	smul.u32 $0x431BDE83, s7  }
0x1ca: {  	(v2sf) =	vpush v13, $0x7;
	s12 =	smulhi.u32 $0x431BDE83, s11;
	s9 =	sshra.s32 s11, $0x1F  }
0x1cb: {  	s23 =	sadd.s32 s0, s4;
	s14 =	spop (v2sf);
	s13 =	smul.u32 $0x431BDE83, s9  }
0x1cc: {  	s1 =	sshrl.u32 s23, $0x1F;
	s15 =	smulhi.u32 $0x431BDE83, s14;
	s9 =	sshra.s32 s14, $0x1F  }
0x1cd: {  	s26 =	sadd.s32 s3, s6;
	s17 =	spop (v2sf);
	s16 =	smul.u32 $0x431BDE83, s9  }
0x1ce: {  	s24 =	sadd.s32 s5, s8;
	s18 =	smulhi.u32 $0x431BDE83, s17;
	s4 =	sshra.s32 s17, $0x1F  }
0x1cf: {  	s9 =	sshrl.u32 s26, $0x1F;
	s20 =	spop (v2sf);
	s4 =	smul.u32 $0x431BDE83, s4  }
0x1d0: {  	s6 =	sshrl.u32 s24, $0x1F;
	s21 =	smulhi.u32 $0x431BDE83, s20;
	s5 =	sshra.s32 s20, $0x1F  }
0x1d1: {  	s25 =	sadd.s32 s7, s10;
	s28 =	spop (v2sf);
	s5 =	smul.u32 $0x431BDE83, s5  }
0x1d2: {  	s8 =	sshrl.u32 s25, $0x1F;
	s14 =	smulhi.u32 $0x431BDE83, s28;
	s7 =	sshra.s32 s28, $0x1F  }
0x1d3: {  	s28 =	sadd.s32 s13, s12;
	s29 =	spop (v2sf);
	s7 =	smul.u32 $0x431BDE83, s7  }
0x1d4: {  	s10 =	smulhi.u32 $0x431BDE83, s29;
	s30 =	sshra.s32 s29, $0x1F;
	s31 =	spop (v2sf)  }
0x1d5: {  	s0 =	sadd.s32 s16, s15;
	s3 =	smul.u32 $0x431BDE83, s30;
	s2 =	spop (v2sf)  }
0x1d6: {  	s15 =	smulhi.u32 $0x431BDE83, s31;
	s16 =	sshra.s32 s31, $0x1F;
	s17 =	spop (v2sf)  }
0x1d7: {  	s29 =	sadd.s32 s4, s18;
	s16 =	smul.u32 $0x431BDE83, s16;
	s12 =	spop (v2sf)  }
0x1d8: {  	s20 =	smulhi.u32 $0x431BDE83, s2;
	s11 =	sshra.s32 s2, $0x1F;
	s18 =	spop (v2sf)  }
0x1d9: {  	s30 =	sadd.s32 s5, s21;
	s21 =	smul.u32 $0x431BDE83, s11;
	s31 =	spop (v2sf)  }
0x1da: {  	s7 =	sadd.s32 s7, s14;
	s2 =	smulhi.u32 $0x431BDE83, s31;
	s11 =	sshra.s32 s31, $0x1F  }
0x1db: {  	v45 =	vmov s9;
	s9 =	sshrl.u32 s30, $0x1F;
	s3 =	sadd.s32 s3, s10;
	s11 =	smul.u32 $0x431BDE83, s11  }
0x1dc: {  	s10 =	sshrl.u32 s28, $0x1F;
	s14 =	sshrl.u32 s7, $0x1F;
	s4 =	sadd.s32 s16, s15  }
0x1dd: {  	s16 =	sshrl.u32 s0, $0x1F;
	s13 =	sshrl.u32 s3, $0x1F;
	s31 =	sadd.s32 s11, s2  }
0x1de: {  	vm13 =	vmmov vm4;
	v15 =	vsel vm0, s1, v45;
	s0 =	sshra.s32 s0, $0x12;
	s15 =	smulhi.u32 $0x431BDE83, s17;
	s2 =	sshra.s32 s31, $0x1F  }
0x1df: {  	v15 =	vsel vm1, s6, v15;
	v46 =	vmov s14;
	s14 =	sshra.s32 s12, $0x1F;
	s5 =	sadd.s32 s21, s20;
	s21 =	sshra.s32 s7, $0x12;
	v44 =	vmov s2  }
0x1e0: {  	vm4 =	vmmov vm15;
	v15 =	vsel vm2, s8, v15;
	s20 =	sshra.s32 s17, $0x1F;
	s7 =	sshra.s32 s7, $0x1F;
	s1 =	smul.u32 $0x431BDE83, s14;
	v14 =	vsel vm3, s21, v44  }
0x1e1: {  	v16 =	vnsel vm3, $0x0, v46;
	v47 =	vmov s16;
	s17 =	sshrl.u32 s29, $0x1F;
	s11 =	smul.u32 $0x431BDE83, s20;
	s20 =	sshra.s32 s3, $0x12;
	v14 =	vsel vm10, s7, v14  }
0x1e2: {  	v16 =	vsel vm0, s13, v16;
	v17 =	vsel vm0, s10, v47;
	s8 =	smulhi.u32 $0x431BDE83, s18;
	s13 =	sshra.s32 s18, $0x1F;
	s3 =	sshra.s32 s3, $0x1F;
	v14 =	vsel vm0, s20, v14  }
0x1e3: {  	vm6 =	vcmask $0x1714;
	s14 =	sshra.s32 s4, $0x12;
	s18 =	smul.u32 $0x431BDE83, s13;
	v17 =	vsel vm1, s17, v17;
	s7 =	sshrl.u32 s4, $0x1F;
	v14 =	vsel vm12, s3, v14  }
0x1e4: {  	v17 =	vsel vm2, s9, v17;
	s2 =	sshrl.u32 s5, $0x1F;
	v16 =	vsel vm1, s7, v16;
	s7 =	sadd.s32 s11, s15;
	s20 =	sshra.s32 s4, $0x1F;
	v14 =	vsel vm1, s14, v14  }
0x1e5: {  	s16 =	sshra.s32 s26, $0x12;
	s6 =	sshra.s32 s5, $0x12;
	v15 =	vcombine.low v17, v15;
	v16 =	vsel vm2, s2, v16;
	s2 =	sshrl.u32 s7, $0x1F;
	v14 =	vsel vm6, s20, v14  }
0x1e6: {  	s13 =	sshra.s32 s5, $0x1F;
	s21 =	smulhi.u32 $0x431BDE83, s12;
	s12 =	sadd.s32 s18, s8;
	v16 =	vsel vm15, s2, v16;
	vm15 =	vcmask $0x1F1C;
	v14 =	vsel vm2, s6, v14  }
0x1e7: {  	v49 =	vmov s0;
	v48 =	vmov s16;
	s18 =	sshra.s32 s23, $0x12;
	s23 =	sshra.s32 s24, $0x12;
	s15 =	sshra.s32 s7, $0x12;
	v14 =	vsel vm15, s13, v14  }
0x1e8: {  	v15 =	vperm.xlane v15, v1;
	v17 =	vsel vm0, s18, v48;
	s1 =	sadd.s32 s1, s21;
	s17 =	sshra.s32 s7, $0x1F;
	s20 =	sshra.s32 s28, $0x12;
	v14 =	vsel vm4, s15, v14  }
0x1e9: {  	s24 =	sshra.s32 s29, $0x12;
	v17 =	vsel vm1, s23, v17;
	s21 =	sshra.s32 s1, $0x12;
	v18 =	vsel vm0, s20, v49;
	v14 =	vsel vm14, s17, v14  }
0x1ea: {  	s29 =	sshra.s32 s30, $0x12;
	s26 =	sshra.s32 s1, $0x1F;
	vm12 =	vmmov vm5;
	s28 =	sshra.s32 s25, $0x12;
	v18 =	vsel vm1, s24, v18;
	v14 =	vsel vm7, s21, v14  }
0x1eb: {  	s30 =	sshra.s32 s12, $0x12;
	s10 =	sshrl.u32 s1, $0x1F;
	v17 =	vsel vm2, s28, v17;
	v18 =	vsel vm2, s29, v18;
	v14 =	vsel vm5, s26, v14  }
0x1ec: {  	s5 =	sshra.s32 s12, $0x1F;
	s14 =	sshrl.u32 s12, $0x1F;
	v16 =	vsel vm7, s10, v16;
	v17 =	vcombine.low v18, v17;
	v14 =	vsel vm11, s30, v14  }
0x1ed: {  	s2 =	sshrl.u32 s31, $0x1F;
	v16 =	vsel vm11, s14, v16;
	s6 =	sshra.s32 s31, $0x12;
	vm5 =	vcmask $0x3B38;
	v14 =	vsel vm13, s5, v14  }
0x1ee: {  	v17 =	vperm.xlane v17, v1;
	v16 =	vsel vm5, s2, v16;
	v14 =	vsel vm5, s6, v14  }
0x1ef: {  	v16 =	vperm.xlane v16, v2;
	v14 =	vperm.xlane v14, v2;
	_ =	sdelay $0x1  }
0x1f0: {  	v15 =	vsel vm8, v16, v15;
	v14 =	vsel vm8, v14, v17  }
0x1f1: {  	v14 =	vadd.s32 v15, v14  }
0x1f2: {  	v14 =	vmul.u32 $0xF4240, v14  }
0x1f3: {  	v50 =	vadd.s32 v8, v12  }
0x1f4: {  	v51 =	vadd.s32 v8, v11;
	v13 =	vsub.s32 v13, v14  }
0x1f5: {  	vm9 =	vlt.s32 v13, $0x0;
	v52 =	vadd.s32 $0xF4240, v13  }
0x1f6: {  	v13 =	vsel vm9, v52, v13  }
0x1f7: {  	[tilespmem:s22+$0x1428] =	vst v13  }
0x1f8: {  	v13 =	vld.idx.msk [tilespmem:v50+s19+$0x0], $0xffff  }
0x1f9: {  	v14 =	vld.idx.msk [tilespmem:v51+s19+$0x0], $0xffff;
	_ =	sdelay $0x3  }
0x1fa: {  	v13 =	vmul.u32 $0x9E37, v13  }
0x1fb: {  	v14 =	vmul.u32 $0x1E40, v14  }
0x1fc: {  	v13 =	vadd.s32 v10, v13  }
0x1fd: {  	v13 =	vadd.s32 v14, v13  }
0x1fe: {  	(v2sf) =	vpush v13, $0xD;
	_ =	sdelay $0x1  }
0x1ff: {  	(v2sf) =	vpush v13, $0xC;
	_ =	sdelay $0x1  }
0x200: {  	(v2sf) =	vpush v13, $0xE;
	_ =	sdelay $0x1  }
0x201: {  	(v2sf) =	vpush v13, $0xF;
	_ =	sdelay $0x1  }
0x202: {  	(v2sf) =	vpush v13, $0x9;
	_ =	sdelay $0x1  }
0x203: {  	(v2sf) =	vpush v13, $0x8;
	_ =	sdelay $0x1  }
0x204: {  	(v2sf) =	vpush v13, $0xA;
	_ =	sdelay $0x1  }
0x205: {  	(v2sf) =	vpush v13, $0xB  }
0x206: {  	s7 =	spop (v2sf)  }
0x207: {  	(v2sf) =	vpush v13, $0x0;
	s8 =	smulhi.u32 $0x431BDE83, s7;
	s0 =	sshra.s32 s7, $0x1F  }
0x208: {  	s9 =	spop (v2sf);
	s0 =	smul.u32 $0x431BDE83, s0  }
0x209: {  	(v2sf) =	vpush v13, $0x1;
	s10 =	smulhi.u32 $0x431BDE83, s9;
	s3 =	sshra.s32 s9, $0x1F  }
0x20a: {  	(v2sf) =	vpush v13, $0x2;
	s11 =	spop (v2sf);
	s3 =	smul.u32 $0x431BDE83, s3  }
0x20b: {  	(v2sf) =	vpush v13, $0x3;
	s12 =	smulhi.u32 $0x431BDE83, s11;
	s5 =	sshra.s32 s11, $0x1F  }
0x20c: {  	(v2sf) =	vpush v13, $0x4;
	s13 =	spop (v2sf);
	s5 =	smul.u32 $0x431BDE83, s5  }
0x20d: {  	(v2sf) =	vpush v13, $0x5;
	s14 =	smulhi.u32 $0x431BDE83, s13;
	s7 =	sshra.s32 s13, $0x1F  }
0x20e: {  	(v2sf) =	vpush v13, $0x6;
	s15 =	spop (v2sf);
	s7 =	smul.u32 $0x431BDE83, s7  }
0x20f: {  	(v2sf) =	vpush v13, $0x7;
	s16 =	smulhi.u32 $0x431BDE83, s15;
	s9 =	sshra.s32 s15, $0x1F  }
0x210: {  	s18 =	spop (v2sf);
	s17 =	smul.u32 $0x431BDE83, s9  }
0x211: {  	s23 =	sadd.s32 s0, s8;
	s20 =	smulhi.u32 $0x431BDE83, s18;
	s9 =	sshra.s32 s18, $0x1F  }
0x212: {  	s1 =	sshrl.u32 s23, $0x1F;
	s29 =	spop (v2sf);
	s21 =	smul.u32 $0x431BDE83, s9  }
0x213: {  	s26 =	sadd.s32 s3, s10;
	s30 =	smulhi.u32 $0x431BDE83, s29;
	s4 =	sshra.s32 s29, $0x1F  }
0x214: {  	s24 =	sadd.s32 s5, s12;
	s31 =	spop (v2sf);
	s4 =	smul.u32 $0x431BDE83, s4  }
0x215: {  	s9 =	sshrl.u32 s26, $0x1F;
	s2 =	smulhi.u32 $0x431BDE83, s31;
	s5 =	sshra.s32 s31, $0x1F  }
0x216: {  	s6 =	sshrl.u32 s24, $0x1F;
	s15 =	spop (v2sf);
	s5 =	smul.u32 $0x431BDE83, s5  }
0x217: {  	s25 =	sadd.s32 s7, s14;
	s14 =	smulhi.u32 $0x431BDE83, s15;
	s7 =	sshra.s32 s15, $0x1F  }
0x218: {  	s28 =	sadd.s32 s17, s16;
	s16 =	spop (v2sf);
	s7 =	smul.u32 $0x431BDE83, s7  }
0x219: {  	s10 =	smulhi.u32 $0x431BDE83, s16;
	s17 =	sshra.s32 s16, $0x1F;
	s18 =	spop (v2sf)  }
0x21a: {  	s0 =	sadd.s32 s21, s20;
	s3 =	smul.u32 $0x431BDE83, s17;
	s20 =	spop (v2sf)  }
0x21b: {  	s15 =	smulhi.u32 $0x431BDE83, s18;
	s16 =	sshra.s32 s18, $0x1F;
	s17 =	spop (v2sf)  }
0x21c: {  	s29 =	sadd.s32 s4, s30;
	s21 =	smul.u32 $0x431BDE83, s16;
	s12 =	spop (v2sf)  }
0x21d: {  	s31 =	smulhi.u32 $0x431BDE83, s20;
	s11 =	sshra.s32 s20, $0x1F;
	s18 =	spop (v2sf)  }
0x21e: {  	s30 =	sadd.s32 s5, s2;
	s2 =	smul.u32 $0x431BDE83, s11;
	s13 =	spop (v2sf)  }
0x21f: {  	s8 =	sshrl.u32 s25, $0x1F;
	s20 =	smulhi.u32 $0x431BDE83, s13;
	s11 =	sshra.s32 s13, $0x1F  }
0x220: {  	s7 =	sadd.s32 s7, s14;
	s16 =	sshrl.u32 s0, $0x1F;
	s11 =	smul.u32 $0x431BDE83, s11  }
0x221: {  	v54 =	vmov s9;
	s9 =	sshrl.u32 s30, $0x1F;
	s0 =	sshra.s32 s0, $0x12;
	s3 =	sadd.s32 s3, s10  }
0x222: {  	s4 =	sadd.s32 s21, s15;
	s5 =	sadd.s32 s2, s31;
	s31 =	sadd.s32 s11, s20  }
0x223: {  	v15 =	vsel vm0, s1, v54;
	s15 =	smulhi.u32 $0x431BDE83, s17;
	s21 =	sshra.s32 s17, $0x1F;
	s17 =	sshra.s32 s31, $0x1F  }
0x224: {  	v15 =	vsel vm1, s6, v15;
	s10 =	sshrl.u32 s28, $0x1F;
	s14 =	sshrl.u32 s7, $0x1F;
	s2 =	sshra.s32 s7, $0x12;
	v53 =	vmov s17  }
0x225: {  	v15 =	vsel vm2, s8, v15;
	v55 =	vmov s14;
	s14 =	sshra.s32 s3, $0x12;
	s7 =	sshra.s32 s7, $0x1F;
	s8 =	smulhi.u32 $0x431BDE83, s18;
	v14 =	vsel vm3, s2, v53  }
0x226: {  	s6 =	sshrl.u32 s5, $0x1F;
	s11 =	smul.u32 $0x431BDE83, s21;
	s20 =	sshrl.u32 s3, $0x1F;
	v14 =	vsel vm10, s7, v14  }
0x227: {  	vm9 =	vcmask $0xF0C;
	v16 =	vnsel vm3, $0x0, v55;
	s21 =	smulhi.u32 $0x431BDE83, s12;
	s3 =	sshra.s32 s3, $0x1F;
	s2 =	sshra.s32 s12, $0x1F;
	v14 =	vsel vm0, s14, v14  }
0x228: {  	v56 =	vmov s16;
	v16 =	vsel vm0, s20, v16;
	s20 =	sshra.s32 s18, $0x1F;
	s1 =	smul.u32 $0x431BDE83, s2;
	s2 =	sshra.s32 s4, $0x12;
	v14 =	vsel vm9, s3, v14  }
0x229: {  	v17 =	vsel vm0, s10, v56;
	s17 =	sshrl.u32 s29, $0x1F;
	s13 =	sadd.s32 s11, s15;
	s15 =	sshra.s32 s4, $0x1F;
	v14 =	vsel vm1, s2, v14  }
0x22a: {  	v58 =	vmov s0;
	s18 =	sshra.s32 s5, $0x12;
	s11 =	sshra.s32 s28, $0x12;
	v17 =	vsel vm1, s17, v17;
	s7 =	sshrl.u32 s4, $0x1F;
	v14 =	vsel vm6, s15, v14  }
0x22b: {  	v18 =	vsel vm0, s11, v58;
	v16 =	vsel vm1, s7, v16;
	s14 =	smul.u32 $0x431BDE83, s20;
	s1 =	sadd.s32 s1, s21;
	s21 =	sshra.s32 s5, $0x1F;
	v14 =	vsel vm2, s18, v14  }
0x22c: {  	s16 =	sshrl.u32 s13, $0x1F;
	v17 =	vsel vm2, s9, v17;
	s9 =	sshra.s32 s13, $0x1F;
	v16 =	vsel vm2, s6, v16;
	s5 =	sshra.s32 s13, $0x12;
	v14 =	vsel vm15, s21, v14  }
0x22d: {  	v15 =	vcombine.low v17, v15;
	v16 =	vsel vm4, s16, v16;
	s20 =	sshrl.u32 s1, $0x1F;
	s6 =	sadd.s32 s14, s8;
	s8 =	sshra.s32 s26, $0x12;
	v14 =	vsel vm4, s5, v14  }
0x22e: {  	s10 =	sshra.s32 s23, $0x12;
	s12 =	sshra.s32 s1, $0x12;
	s14 =	sshra.s32 s29, $0x12;
	v16 =	vsel vm7, s20, v16;
	v57 =	vmov s8;
	v14 =	vsel vm14, s9, v14  }
0x22f: {  	s13 =	sshra.s32 s24, $0x12;
	s2 =	sshrl.u32 s6, $0x1F;
	s15 =	sshra.s32 s1, $0x1F;
	v18 =	vsel vm1, s14, v18;
	v17 =	vsel vm0, s10, v57;
	v14 =	vsel vm7, s12, v14  }
0x230: {  	s17 =	sshra.s32 s30, $0x12;
	s16 =	sshra.s32 s25, $0x12;
	v16 =	vsel vm11, s2, v16;
	s18 =	sshra.s32 s6, $0x12;
	v17 =	vsel vm1, s13, v17;
	v14 =	vsel vm12, s15, v14  }
0x231: {  	s20 =	sshrl.u32 s31, $0x1F;
	v18 =	vsel vm2, s17, v18;
	s21 =	sshra.s32 s6, $0x1F;
	v17 =	vsel vm2, s16, v17;
	v14 =	vsel vm11, s18, v14  }
0x232: {  	s23 =	sshra.s32 s31, $0x12;
	v16 =	vsel vm5, s20, v16;
	v17 =	vcombine.low v18, v17;
	v14 =	vsel vm13, s21, v14  }
0x233: {  	v15 =	vperm.xlane v15, v1;
	v16 =	vperm.xlane v16, v2;
	v14 =	vsel vm5, s23, v14  }
0x234: {  	v17 =	vperm.xlane v17, v1;
	v14 =	vperm.xlane v14, v2;
	_ =	sdelay $0x1  }
0x235: {  	v15 =	vsel vm8, v16, v15;
	v14 =	vsel vm8, v14, v17  }
0x236: {  	v14 =	vadd.s32 v15, v14  }
0x237: {  	v14 =	vmul.u32 $0xF4240, v14  }
0x238: {  	v12 =	vadd.s32 v9, v12  }
0x239: {  	v11 =	vadd.s32 v9, v11;
	v13 =	vsub.s32 v13, v14  }
0x23a: {  	vm9 =	vlt.s32 v13, $0x0;
	v14 =	vadd.s32 $0xF4240, v13  }
0x23b: {  	v13 =	vsel vm9, v14, v13  }
0x23c: {  	[tilespmem:s22+$0x1438] =	vst v13  }
0x23d: {  	v12 =	vld.idx.msk [tilespmem:v12+s19+$0x0], $0xffff  }
0x23e: {  	v11 =	vld.idx.msk [tilespmem:v11+s19+$0x0], $0xffff;
	_ =	sdelay $0x3  }
0x23f: {  	v12 =	vmul.u32 $0x9E37, v12  }
0x240: {  	v11 =	vmul.u32 $0x1E40, v11  }
0x241: {  	v10 =	vadd.s32 v10, v12  }
0x242: {  	v10 =	vadd.s32 v11, v10  }
0x243: {  	(v2sf) =	vpush v10, $0xD;
	_ =	sdelay $0x1  }
0x244: {  	(v2sf) =	vpush v10, $0xC;
	_ =	sdelay $0x1  }
0x245: {  	(v2sf) =	vpush v10, $0xE;
	_ =	sdelay $0x1  }
0x246: {  	(v2sf) =	vpush v10, $0xF;
	_ =	sdelay $0x1  }
0x247: {  	(v2sf) =	vpush v10, $0x9;
	_ =	sdelay $0x1  }
0x248: {  	(v2sf) =	vpush v10, $0x8;
	_ =	sdelay $0x1  }
0x249: {  	(v2sf) =	vpush v10, $0xA;
	_ =	sdelay $0x1  }
0x24a: {  	(v2sf) =	vpush v10, $0xB  }
0x24b: {  	(v2sf) =	vpush v10, $0x0;
	s24 =	spop (v2sf)  }
0x24c: {  	(v2sf) =	vpush v10, $0x1;
	s25 =	smulhi.u32 $0x431BDE83, s24;
	s0 =	sshra.s32 s24, $0x1F  }
0x24d: {  	s26 =	spop (v2sf);
	s0 =	smul.u32 $0x431BDE83, s0  }
0x24e: {  	s28 =	smulhi.u32 $0x431BDE83, s26;
	s1 =	sshra.s32 s26, $0x1F  }
0x24f: {  	(v2sf) =	vpush v10, $0x2;
	s30 =	spop (v2sf);
	s31 =	smul.u32 $0x431BDE83, s1  }
0x250: {  	s7 =	smulhi.u32 $0x431BDE83, s30;
	s14 =	sshra.s32 s30, $0x1F  }
0x251: {  	(v2sf) =	vpush v10, $0x3;
	s15 =	spop (v2sf);
	s8 =	smul.u32 $0x431BDE83, s14  }
0x252: {  	(v2sf) =	vpush v10, $0x4;
	s9 =	smulhi.u32 $0x431BDE83, s15;
	s16 =	sshra.s32 s15, $0x1F  }
0x253: {  	(v2sf) =	vpush v10, $0x5;
	s17 =	spop (v2sf);
	s10 =	smul.u32 $0x431BDE83, s16  }
0x254: {  	(v2sf) =	vpush v10, $0x6;
	s11 =	smulhi.u32 $0x431BDE83, s17;
	s5 =	sshra.s32 s17, $0x1F  }
0x255: {  	(v2sf) =	vpush v10, $0x7;
	s18 =	spop (v2sf);
	s5 =	smul.u32 $0x431BDE83, s5  }
0x256: {  	s14 =	smulhi.u32 $0x431BDE83, s18;
	s1 =	sshra.s32 s18, $0x1F  }
0x257: {  	s19 =	spop (v2sf);
	s16 =	smul.u32 $0x431BDE83, s1  }
0x258: {  	s25 =	sadd.s32 s0, s25;
	s18 =	smulhi.u32 $0x431BDE83, s19;
	s29 =	sshra.s32 s19, $0x1F  }
0x259: {  	s28 =	sadd.s32 s31, s28;
	s20 =	spop (v2sf);
	s21 =	smul.u32 $0x431BDE83, s29  }
0x25a: {  	s23 =	spop (v2sf);
	s29 =	smulhi.u32 $0x431BDE83, s20;
	s30 =	sshra.s32 s20, $0x1F  }
0x25b: {  	s6 =	sshrl.u32 s25, $0x1F;
	s24 =	spop (v2sf);
	s2 =	smul.u32 $0x431BDE83, s30  }
0x25c: {  	s20 =	smulhi.u32 $0x431BDE83, s23;
	s15 =	sshra.s32 s23, $0x1F;
	s23 =	sadd.s32 s10, s9  }
0x25d: {  	s9 =	sshrl.u32 s28, $0x1F;
	s0 =	sadd.s32 s16, s14;
	s3 =	smul.u32 $0x431BDE83, s15  }
0x25e: {  	s12 =	spop (v2sf);
	s4 =	smulhi.u32 $0x431BDE83, s24;
	s31 =	sshra.s32 s24, $0x1F  }
0x25f: {  	s24 =	sadd.s32 s8, s7;
	s30 =	sadd.s32 s21, s18;
	s7 =	smul.u32 $0x431BDE83, s31  }
0x260: {  	s26 =	spop (v2sf);
	s8 =	smulhi.u32 $0x431BDE83, s12;
	s12 =	sshra.s32 s12, $0x1F  }
0x261: {  	s31 =	sadd.s32 s5, s11;
	s15 =	smul.u32 $0x431BDE83, s12;
	s13 =	spop (v2sf)  }
0x262: {  	s10 =	smulhi.u32 $0x431BDE83, s26;
	s17 =	sshra.s32 s26, $0x1F;
	s19 =	spop (v2sf)  }
0x263: {  	s12 =	sshrl.u32 s24, $0x1F;
	s26 =	sadd.s32 s2, s29;
	s1 =	spop (v2sf)  }
0x264: {  	s3 =	sadd.s32 s3, s20;
	s11 =	smul.u32 $0x431BDE83, s17;
	s21 =	spop (v2sf)  }
0x265: {  	s4 =	sadd.s32 s7, s4;
	s29 =	smulhi.u32 $0x431BDE83, s21;
	s14 =	sshra.s32 s21, $0x1F  }
0x266: {  	s20 =	sshrl.u32 s3, $0x1F;
	s5 =	sadd.s32 s15, s8;
	s16 =	smul.u32 $0x431BDE83, s14  }
0x267: {  	s8 =	sshrl.u32 s31, $0x1F;
	s18 =	smulhi.u32 $0x431BDE83, s13;
	s13 =	sshra.s32 s13, $0x1F  }
0x268: {  	s15 =	sshra.s32 s28, $0x12;
	s7 =	smul.u32 $0x431BDE83, s13;
	s29 =	sadd.s32 s16, s29  }
0x269: {  	s10 =	sadd.s32 s11, s10;
	s11 =	sshrl.u32 s30, $0x1F;
	s17 =	sshra.s32 s29, $0x1F  }
0x26a: {  	v59 =	vmov s9;
	s13 =	sshrl.u32 s0, $0x1F;
	s2 =	sadd.s32 s7, s18;
	s18 =	sshra.s32 s3, $0x12;
	v11 =	vmov s17  }
0x26b: {  	v12 =	vsel vm0, s6, v59;
	v60 =	vmov s20;
	s0 =	sshra.s32 s0, $0x12;
	s20 =	smulhi.u32 $0x431BDE83, s1;
	s3 =	sshra.s32 s3, $0x1F;
	v11 =	vsel vm3, s18, v11  }
0x26c: {  	v12 =	vsel vm1, s12, v12;
	s1 =	sshra.s32 s1, $0x1F;
	s21 =	sshrl.u32 s4, $0x1F;
	s18 =	sshra.s32 s4, $0x12;
	v11 =	vsel vm10, s3, v11  }
0x26d: {  	v13 =	vnsel vm3, $0x0, v60;
	s16 =	smulhi.u32 $0x431BDE83, s19;
	s17 =	sshra.s32 s19, $0x1F;
	s4 =	sshra.s32 s4, $0x1F;
	vm3 =	vcmask $0xF0C;
	v11 =	vsel vm0, s18, v11  }
0x26e: {  	v61 =	vmov s13;
	s7 =	sshrl.u32 s26, $0x1F;
	v13 =	vsel vm0, s21, v13;
	s21 =	sshra.s32 s5, $0x12;
	s9 =	smul.u32 $0x431BDE83, s17;
	v11 =	vsel vm3, s4, v11  }
0x26f: {  	v62 =	vmov s15;
	s1 =	smul.u32 $0x431BDE83, s1;
	v14 =	vsel vm0, s8, v61;
	s19 =	sshrl.u32 s5, $0x1F;
	s5 =	sshra.s32 s5, $0x1F;
	v11 =	vsel vm1, s21, v11  }
0x270: {  	v63 =	vmov s0;
	s14 =	sshrl.u32 s23, $0x1F;
	v14 =	vsel vm1, s11, v14;
	s6 =	sadd.s32 s9, s16;
	s9 =	sshra.s32 s10, $0x12;
	v11 =	vsel vm6, s5, v11  }
0x271: {  	s12 =	sshra.s32 s10, $0x1F;
	s8 =	sshrl.u32 s2, $0x1F;
	v12 =	vsel vm2, s14, v12;
	v14 =	vsel vm2, s7, v14;
	s17 =	sshra.s32 s31, $0x12;
	v11 =	vsel vm2, s9, v11  }
0x272: {  	s1 =	sadd.s32 s1, s20;
	s14 =	sshra.s32 s2, $0x12;
	s20 =	sshra.s32 s30, $0x12;
	v12 =	vcombine.low v14, v12;
	v15 =	vsel vm0, s17, v63;
	v11 =	vsel vm15, s12, v11  }
0x273: {  	s2 =	sshra.s32 s2, $0x1F;
	v13 =	vsel vm1, s19, v13;
	s16 =	sshra.s32 s25, $0x12;
	v15 =	vsel vm1, s20, v15;
	s25 =	sshra.s32 s26, $0x12;
	v11 =	vsel vm4, s14, v11  }
0x274: {  	s19 =	sshra.s32 s24, $0x12;
	s4 =	sshrl.u32 s10, $0x1F;
	s18 =	sshra.s32 s6, $0x12;
	v14 =	vsel vm0, s16, v62;
	v15 =	vsel vm2, s25, v15;
	v11 =	vsel vm14, s2, v11  }
0x275: {  	s24 =	sshra.s32 s23, $0x12;
	v13 =	vsel vm2, s4, v13;
	s21 =	sshra.s32 s6, $0x1F;
	v14 =	vsel vm1, s19, v14;
	v11 =	vsel vm7, s18, v11  }
0x276: {  	s26 =	sshra.s32 s1, $0x12;
	s11 =	sshrl.u32 s6, $0x1F;
	v13 =	vsel vm4, s8, v13;
	v14 =	vsel vm2, s24, v14;
	v11 =	vsel vm12, s21, v11  }
0x277: {  	s13 =	sshrl.u32 s1, $0x1F;
	s30 =	sshra.s32 s1, $0x1F;
	v13 =	vsel vm7, s11, v13;
	v14 =	vcombine.low v15, v14;
	v11 =	vsel vm11, s26, v11  }
0x278: {  	s28 =	sshrl.u32 s29, $0x1F;
	v12 =	vperm.xlane v12, v1;
	s31 =	sshra.s32 s29, $0x12;
	v13 =	vsel vm11, s13, v13;
	v11 =	vsel vm13, s30, v11  }
0x279: {  	v13 =	vsel vm5, s28, v13;
	v14 =	vperm.xlane v14, v1;
	v11 =	vsel vm5, s31, v11  }
0x27a: {  	v13 =	vperm.xlane v13, v2;
	v11 =	vperm.xlane v11, v2;
	_ =	sdelay $0x1  }
0x27b: {  	v12 =	vsel vm8, v13, v12;
	v11 =	vsel vm8, v11, v14  }
0x27c: {  	s5 =	rddreg [dreg:$0xc];
	v11 =	vadd.s32 v12, v11  }
0x27d: {  	p0 =	slt.u32 s5, $0x8;
	v11 =	vmul.u32 $0xF4240, v11  }
.Ltmp5:
0x27e: {  	_ = 	snop;
	(pc) =	sbr.rel @!p0 .LBB2_4-.Ltmp5, $4  }
0x27f: {  	v10 =	vsub.s32 v10, v11  }
0x280: {  	vm9 =	vlt.s32 v10, $0x0;
	v11 =	vadd.s32 $0xF4240, v10  }
0x281: {  	v10 =	vsel vm9, v11, v10  }
0x282: {  	s0 =	sadd.s32 $0x13D8, s22;
	[tilespmem:s22+$0x1448] =	vst v10  }
0x283: {  	p0 =	slt.u32 s5, $0x3  }
.Ltmp6:
0x284: {  	_ = 	snop;
	(pc) =	sbr.rel @p0 .LBB2_7-.Ltmp6, $4  }
.Ltmp7:
0x285: {  	s4 =	rddreg [dreg:$0xb];
	(pc) =	sbr.rel @!p0 .LBB2_6-.Ltmp7, $4  }
0x286: {  	s2 =	rddreg [dreg:$0x5];
	s1 =	sshra.s32 s4, $0x2  }
0x287: {  	s3 =	simm.s32 $0x80;
	s19 =	simm.s32 $0x0;
	s1 =	sadd.s32 $0x17D8, s1  }
0x288: {  	[tilespmem:s1], [sflag:$0x1] =	stream.indirect.gather [hbm4b:s2+s3], $0x20, s0, s3, $0xb8;
	[tilespmem:$0x97D8] =	vst v63  }
0x289: {  	_ = 	snop  }
.LBB2_9:
0x28a: {  	_ =	sfence.sel $0x180000  }
0x28b: {  	[bflag:$0x0] =	sbarrier.arrive $0xFFFF  }
0x28c: {  	_ =	strace $0x90000047  }
0x28d: {  	s0 =	stileid.u32;
	[bflag:$0x2] =	sbarrier.arrive $0xFFFF  }
0x28e: {  	p0 =	sne.s32 s0, $0x0;
	s0 =	rddreg [dreg:$0x1]  }
0x28f: {  	s0 =	sadd.s32 @!p0 $0x100000, s0  }
0x290: {  	[sflag:s0] =	ssyncadd.tile.s32 @!p0 $0x1;
	_ =	shalt  }
.Lfunc_end2:
_tile_overlayer_lowered:
.L_overlay_start_2:
0x291: {  	(tag) =	ssettag $0x2  }
0x292: {  	s0 =	rddreg [dreg:$0x0];
	s2 =	stileid.u32  }
0x293: {  	s1 =	rddreg [dreg:$0x1];
	p0 =	sne.s32 s2, $0x0  }
0x294: {  	s3 =	rddreg [dreg:$0x2];
	[bflag:$0x3] =	sbarrier.arrive $0xFFFF;
	s2 =	simm.s32 @!p0 $0x1C03  }
0x295: {  	[timem:s3], [sflag:s2] =	dma.local @!p0 [hbm:s0], s1  }
0x296: {  	s0 =	simm.s32 @!p0 $0x3  }
0x297: {  	_ =	swait.ge @!p0 [sflag:s0], s1  }
0x298: {  	s1 =	ssub.s32 @!p0 $0x0, s1;
	[sflag:s0] =	ssyncset.done @!p0 $0x0  }
0x299: {  	[sflag:s0] =	ssyncadd.s32 @!p0 s1  }
0x29a: {  	[bflag:$0x3] =	sbarrier.arrive $0xFFFF  }
0x29b: {  	_ =	shalt  }

</sc_bundles>
